<compile_context>
chip_gen: v7x
topology: tpu7x:2x2x1
jax: 0.10.2.dev20260603
libtpu: 0.0.44.dev20260713+nightly
codegen_flags: <defaults>
</compile_context>

<pallas_src>
import functools

import jax
import jax.numpy as jnp
from jax import lax
from jax.experimental import pallas as pl
from jax.experimental.pallas import tpu as pltpu
from jax.experimental.pallas import tpu_sc as plsc

N_NODES = 10000
N_EDGES = 320000
D_FEAT = 128

NC = 2
NS = 16
CHUNK = 256
PAIRS = N_EDGES // CHUNK
CORE0_PAIRS = 680
CORE1_PAIRS = PAIRS - CORE0_PAIRS
Q0, R0 = divmod(CORE0_PAIRS, NS)
Q1, R1 = divmod(CORE1_PAIRS, NS)
ROWS_PER_TILE = 632
N_ACC = ROWS_PER_TILE * NS
L = 16


def _sc_accumulate(x, e2, zeros_init):
    mesh = plsc.VectorSubcoreMesh(core_axis_name="c", subcore_axis_name="s")

    @functools.partial(
        pl.kernel,
        out_type=(
            jax.ShapeDtypeStruct((NC, N_ACC, D_FEAT), jnp.float32),
            jax.ShapeDtypeStruct((NC, NS, N_ACC), jnp.float32),
        ),
        mesh=mesh,
        scratch_types=[
            pltpu.VMEM((2, 1, CHUNK), jnp.int32),
            pltpu.VMEM((2, 1, CHUNK), jnp.int32),
            pltpu.VMEM((CHUNK, D_FEAT), jnp.float32),
            pltpu.VMEM((N_ACC,), jnp.float32),
            pltpu.VMEM_SHARED((N_ACC, D_FEAT), jnp.float32),
            pltpu.SemaphoreType.DMA,
            pltpu.SemaphoreType.DMA,
            pltpu.SemaphoreType.DMA,
            pltpu.SemaphoreType.DMA,
        ],
        compiler_params=pltpu.CompilerParams(needs_layout_passes=False),
    )
    def sc_kernel(x_hbm, sd_hbm, zero_hbm, acc_hbm, deg_hbm,
                  src_w, dst_w, rows_a, hist_v, acc_sh,
                  sem_a, sem_b, sem_is, sem_id):
        c = lax.axis_index("c")
        s = lax.axis_index("s")
        base = jnp.where(
            c == 0,
            s * Q0 + jnp.minimum(s, R0),
            CORE0_PAIRS + s * Q1 + jnp.minimum(s, R1),
        )
        npairs = jnp.where(c == 0,
                           Q0 + (s < R0).astype(jnp.int32),
                           Q1 + (s < R1).astype(jnp.int32))

        pltpu.sync_copy(zero_hbm,
                        acc_sh.at[pl.ds(s * ROWS_PER_TILE, ROWS_PER_TILE)])

        zeros16 = jnp.zeros((L,), jnp.float32)

        def zero_body(i, _):
            hist_v[pl.ds(i * L, L)] = zeros16
            return 0

        lax.fori_loop(0, N_ACC // L, zero_body, 0)
        plsc.subcore_barrier()

        ones16 = jnp.ones((L,), jnp.float32)

        def hist_rows(slot, r):
            for m in range(CHUNK // L):
                d = dst_w[slot, r, pl.ds(m * L, L)]
                plsc.addupdate_scatter(hist_v, [d], ones16)

        def fetch_idx(p, slot, wait):
            rows = pl.ds(p, 1)
            if wait:
                pltpu.make_async_copy(sd_hbm.at[0].at[rows], src_w.at[slot],
                                      sem_is).wait()
                pltpu.make_async_copy(sd_hbm.at[1].at[rows], dst_w.at[slot],
                                      sem_id).wait()
            else:
                pltpu.async_copy(sd_hbm.at[0].at[rows], src_w.at[slot],
                                 sem_is)
                pltpu.async_copy(sd_hbm.at[1].at[rows], dst_w.at[slot],
                                 sem_id)

        fetch_idx(base, 0, False)

        def body(j, _):
            slot = lax.rem(j, 2)
            nslot = lax.rem(j + 1, 2)
            fetch_idx(base + j, slot, True)
            fetch_idx(jnp.minimum(base + j + 1, PAIRS - 1), nslot, False)
            pltpu.async_copy(x_hbm.at[src_w.at[slot, 0]], rows_a, sem_a)
            hist_rows(slot, 0)
            pltpu.make_async_copy(x_hbm.at[src_w.at[slot, 0]], rows_a,
                                  sem_a).wait()
            pltpu.sync_copy(rows_a, acc_sh.at[dst_w.at[slot, 0]], add=True)
            return 0

        lax.fori_loop(0, npairs, body, 0)
        fetch_idx(PAIRS - 1, lax.rem(npairs, 2), True)
        plsc.subcore_barrier()

        pltpu.sync_copy(acc_sh.at[pl.ds(s * ROWS_PER_TILE, ROWS_PER_TILE)],
                        acc_hbm.at[c].at[pl.ds(s * ROWS_PER_TILE,
                                               ROWS_PER_TILE)])
        pltpu.sync_copy(hist_v, deg_hbm.at[c].at[s])

    return sc_kernel(x, e2, zeros_init)


def _tc_body(x_ref, acc_ref, deg_ref, ws_ref, wn_ref, b_ref, o_ref):
    feats = acc_ref[0] + acc_ref[1]
    deg = jnp.maximum(deg_ref[...], 1.0)
    agg = jnp.dot(feats / deg, wn_ref[...], preferred_element_type=jnp.float32)
    z = jnp.dot(x_ref[...], ws_ref[...], preferred_element_type=jnp.float32)
    o_ref[...] = jnp.maximum(z + agg + b_ref[...], 0.0)


def _tc_finish(x, acc, deg, W_self, W_neigh, b):
    R = 2000
    grid = N_NODES // R
    return pl.pallas_call(
        _tc_body,
        grid=(grid,),
        in_specs=[
            pl.BlockSpec((R, D_FEAT), lambda i: (i, 0)),
            pl.BlockSpec((NC, R, D_FEAT), lambda i: (0, i, 0)),
            pl.BlockSpec((R, 1), lambda i: (i, 0)),
            pl.BlockSpec((D_FEAT, D_FEAT), lambda i: (0, 0)),
            pl.BlockSpec((D_FEAT, D_FEAT), lambda i: (0, 0)),
            pl.BlockSpec((1, D_FEAT), lambda i: (0, 0)),
        ],
        out_specs=pl.BlockSpec((R, D_FEAT), lambda i: (i, 0)),
        out_shape=jax.ShapeDtypeStruct((N_NODES, D_FEAT), jnp.float32),
    )(x, acc, deg, W_self, W_neigh, b.reshape(1, D_FEAT))


def kernel(x, edge_index, batch, W_self, W_neigh, b):
    e2 = edge_index.astype(jnp.int32).reshape(2, PAIRS, CHUNK)
    zeros_init = jnp.zeros((ROWS_PER_TILE, D_FEAT), jnp.float32)

    acc, deg_parts = _sc_accumulate(x, e2, zeros_init)
    deg = deg_parts.sum(axis=(0, 1))[:N_NODES, None]
    node_emb = _tc_finish(x, acc, deg, W_self, W_neigh, b)
    return node_emb, batch

# --- scband reference (transcript-rebuilt; emitter-appended) ---
"""Pipeline reference for scband-embedding-module-30580167148188 (READ-ONLY COPY).

The authoritative reference and input builder live on the scoring server;
editing this copy changes nothing except your own understanding.
"""

import jax, jax.numpy as jnp
import numpy as np

N_NODES = 10000
N_EDGES = 320000
D_FEAT = 128
N_GRAPHS = 16


def setup_inputs(seed: int = 0) -> dict:
    key = jax.random.key(seed)
    k1, k2, k3, k4, k5 = jax.random.split(key, 5)
    x = jax.random.normal(k1, (N_NODES, D_FEAT), dtype=jnp.float32)
    edge_index = jax.random.randint(k2, (2, N_EDGES), 0, N_NODES, dtype=jnp.int64)
    batch = jnp.sort(jax.random.randint(k3, (N_NODES,), 0, N_GRAPHS, dtype=jnp.int64))
    # GNN parameters (single GraphConv-style message-passing layer, embedding_size=128)
    W_self = jax.random.normal(k4, (D_FEAT, D_FEAT), dtype=jnp.float32) * (1.0 / np.sqrt(D_FEAT))
    W_neigh = jax.random.normal(k5, (D_FEAT, D_FEAT), dtype=jnp.float32) * (1.0 / np.sqrt(D_FEAT))
    b = jnp.zeros((D_FEAT,), dtype=jnp.float32)
    return {"x": x, "edge_index": edge_index, "batch": batch, "W_self": W_self, "W_neigh": W_neigh, "b": b}


def reference(x, edge_index, batch, W_self, W_neigh, b):
    # EmbeddingModule.forward on a pre-built Batch: node_emb, batch_vec = self.gnn(as_batch);
    # ObjectEmbedding.from_sparse(node_emb, batch_vec) keeps the sparse (flat) node embeddings
    # together with the graph-membership vector.
    src = edge_index[0]
    dst = edge_index[1]
    # gather source node features (SparseCore gather)
    msgs = jnp.take(x, src, axis=0) @ W_neigh
    # scatter-add aggregation onto destination nodes (SparseCore scatter-add)
    agg = jax.ops.segment_sum(msgs, dst, num_segments=N_NODES)
    deg = jax.ops.segment_sum(jnp.ones((N_EDGES,), dtype=jnp.float32), dst, num_segments=N_NODES)
    agg = agg / jnp.clip(deg, 1.0, None)[:, None]
    node_emb = jax.nn.relu(x @ W_self + agg + b)
    return node_emb, batch

if __name__ == "__main__":
    import jax
    _d = setup_inputs()
    print(jax.jit(kernel)(*tuple(_d.values())))

</pallas_src>

<mosaic_0001>
#map = affine_map<(d0, d1) -> (0, 0)>
#map1 = affine_map<(d0, d1) -> (0, 0, 0)>
module attributes {stable_mosaic.version = 14 : i64} {
  func.func @sc_kernel(%arg0: i32, %arg1: i32, %arg2: memref<10000x128xf32, #tpu.memory_space<hbm>>, %arg3: memref<2x1250x256xi32, #tpu.memory_space<hbm>>, %arg4: memref<632x128xf32, #tpu.memory_space<hbm>>, %arg5: memref<2x10112x128xf32, #tpu.memory_space<hbm>>, %arg6: memref<2x16x10112xf32, #tpu.memory_space<hbm>>, %arg7: memref<2x1x256xi32, #tpu.memory_space<vmem>>, %arg8: memref<2x1x256xi32, #tpu.memory_space<vmem>>, %arg9: memref<256x128xf32, #tpu.memory_space<vmem>>, %arg10: memref<10112xf32, #tpu.memory_space<vmem>>, %arg11: memref<10112x128xf32, #tpu.memory_space<vmem_shared>>, %arg12: memref<!tpu.dma_semaphore, #tpu.memory_space<semaphore_mem>>, %arg13: memref<!tpu.dma_semaphore, #tpu.memory_space<semaphore_mem>>, %arg14: memref<!tpu.dma_semaphore, #tpu.memory_space<semaphore_mem>>, %arg15: memref<!tpu.dma_semaphore, #tpu.memory_space<semaphore_mem>>) attributes {dimension_semantics = [#tpu.dimension_semantics<core_parallel>, #tpu.dimension_semantics<subcore_parallel>], iteration_bounds = array<i64: 2, 16>, scalar_prefetch = 0 : i64, scratch_operands = 9 : i64, tpu.core_type = #tpu.core_type<sc_vector_subcore>, window_params = [{transform_indices = #map}, {transform_indices = #map1}, {transform_indices = #map}, {transform_indices = #map1}, {transform_indices = #map1}]} {
    %eq3A = arith.constant 0 : i32
    %eq3A_0 = arith.cmpi eq, %arg0, %eq3A : i32
    %mul3A = arith.constant 42 : i32
    %mul3A_1 = arith.muli %arg1, %mul3A : i32
    %min3A = arith.constant 8 : i32
    %min3A_2 = arith.minsi %arg1, %min3A : i32
    %add3A = arith.addi %mul3A_1, %min3A_2 : i32
    %mul3A_3 = arith.constant 35 : i32
    %mul3A_4 = arith.muli %arg1, %mul3A_3 : i32
    %add3A_5 = arith.constant 680 : i32
    %add3A_6 = arith.addi %add3A_5, %mul3A_4 : i32
    %min3A_7 = arith.constant 10 : i32
    %min3A_8 = arith.minsi %arg1, %min3A_7 : i32
    %add3A_9 = arith.addi %add3A_6, %min3A_8 : i32
    %select_n3A = arith.select %eq3A_0, %add3A, %add3A_9 : i32
    %eq3A_10 = arith.constant 0 : i32
    %eq3A_11 = arith.cmpi eq, %arg0, %eq3A_10 : i32
    %lt3A = arith.constant 8 : i32
    %lt3A_12 = arith.cmpi slt, %arg1, %lt3A : i32
    %convert_element_type3A = arith.extui %lt3A_12 : i1 to i32
    %add3A_13 = arith.constant 42 : i32
    %add3A_14 = arith.addi %add3A_13, %convert_element_type3A : i32
    %lt3A_15 = arith.constant 10 : i32
    %lt3A_16 = arith.cmpi slt, %arg1, %lt3A_15 : i32
    %convert_element_type3A_17 = arith.extui %lt3A_16 : i1 to i32
    %add3A_18 = arith.constant 35 : i32
    %add3A_19 = arith.addi %add3A_18, %convert_element_type3A_17 : i32
    %select_n3A_20 = arith.select %eq3A_11, %add3A_14, %add3A_19 : i32
    %mul3A_21 = arith.constant 632 : i32
    %mul3A_22 = arith.muli %arg1, %mul3A_21 : i32
    "tpu.region"() ({
      %run_scoped3A = tpu.sem_alloc : memref<!tpu.dma_semaphore, #tpu.memory_space<semaphore_mem>>
      %dma_start3A_137 = arith.constant 0 : i32
      %dma_start3A_138 = tpu.memref_slice %arg11[%mul3A_22, %dma_start3A_137] : memref<10112x128xf32, #tpu.memory_space<vmem_shared>> -> memref<632x128xf32, #tpu.memory_space<vmem_shared>>
      tpu.enqueue_dma source(%arg4 : memref<632x128xf32, #tpu.memory_space<hbm>>) target(%dma_start3A_138 : memref<632x128xf32, #tpu.memory_space<vmem_shared>>) target_semaphore(%run_scoped3A : memref<!tpu.dma_semaphore, #tpu.memory_space<semaphore_mem>>)
      %dma_wait3A_139 = arith.constant 0 : i32
      %dma_wait3A_140 = tpu.memref_slice %arg11[%mul3A_22, %dma_wait3A_139] : memref<10112x128xf32, #tpu.memory_space<vmem_shared>> -> memref<632x128xf32, #tpu.memory_space<vmem_shared>>
      tpu.wait_dma2 semaphore(%run_scoped3A : memref<!tpu.dma_semaphore, #tpu.memory_space<semaphore_mem>>) src(%arg4 : memref<632x128xf32, #tpu.memory_space<hbm>>) dst(%dma_wait3A_140 : memref<632x128xf32, #tpu.memory_space<vmem_shared>>)
      tpu.yield
    }) : () -> ()
    %broadcast_in_dim3A = arith.constant 0.000000e+00 : f32
    %broadcast_in_dim3A_23 = vector.broadcast %broadcast_in_dim3A : f32 to vector<16xf32>
    %scan3A = arith.constant 0 : i32
    %scan3A_24 = arith.constant 0 : i32
    %scan3A_25 = arith.constant 632 : i32
    %scan3A_26 = arith.addi %scan3A_24, %scan3A_25 : i32
    %scan3A_27 = arith.constant 1 : i32
    %scan3A_28 = scf.for %scan3A_137 = %scan3A_24 to %scan3A_26 step %scan3A_27 iter_args(%scan3A_138 = %scan3A) -> (i32)  : i32 {
      %mul3A_139 = arith.constant 16 : i32
      %mul3A_140 = arith.muli %scan3A_137, %mul3A_139 : i32
      %swap3A = arith.index_cast %mul3A_140 : i32 to index
      %swap3A_141 = tpu.vector_load %arg10[%swap3A] {strides = array<i32>} : memref<10112xf32, #tpu.memory_space<vmem>>, vector<16xf32>,
      tpu.vector_store %arg10[%swap3A], %broadcast_in_dim3A_23 {strides = array<i32>} : memref<10112xf32, #tpu.memory_space<vmem>>, vector<16xf32>,
      %scan3A_142 = arith.constant 0 : i32
      scf.yield %scan3A_142 : i32
    }
    %scan3A_29 = arith.constant 632 : i32
    %barrier3A = arith.constant 0 : index
    tpu.barrier barrier_id(%barrier3A)
    %broadcast_in_dim3A_30 = arith.constant 1.000000e+00 : f32
    %broadcast_in_dim3A_31 = vector.broadcast %broadcast_in_dim3A_30 : f32 to vector<16xf32>
    %dma_start3A = arith.constant 0 : i32
    %dma_start3A_32 = arith.constant 0 : i32
    %dma_start3A_33 = arith.constant 0 : i32
    %dma_start3A_34 = arith.constant 0 : i32
    %dma_start3A_35 = tpu.memref_slice %arg7[%dma_start3A_32, %dma_start3A_33, %dma_start3A_34] : memref<2x1x256xi32, #tpu.memory_space<vmem>> -> memref<1x1x256xi32, #tpu.memory_space<vmem>>
    %dma_start3A_36 = tpu.memref_squeeze %dma_start3A_35 : memref<1x1x256xi32, #tpu.memory_space<vmem>> -> memref<1x256xi32, #tpu.memory_space<vmem>>
    %dma_start3A_37 = arith.constant 0 : i32
    %dma_start3A_38 = arith.constant 0 : i32
    %dma_start3A_39 = tpu.memref_slice %arg3[%dma_start3A, %dma_start3A_37, %dma_start3A_38] : memref<2x1250x256xi32, #tpu.memory_space<hbm>> -> memref<1x1250x256xi32, #tpu.memory_space<hbm>>
    %dma_start3A_40 = tpu.memref_squeeze %dma_start3A_39 : memref<1x1250x256xi32, #tpu.memory_space<hbm>> -> memref<1250x256xi32, #tpu.memory_space<hbm>>
    %dma_start3A_41 = arith.constant 0 : i32
    %dma_start3A_42 = tpu.memref_slice %dma_start3A_40[%select_n3A, %dma_start3A_41] : memref<1250x256xi32, #tpu.memory_space<hbm>> -> memref<1x256xi32, #tpu.memory_space<hbm>>
    %dma_start3A_43 = arith.constant 0 : i32
    %dma_start3A_44 = arith.constant 0 : i32
    %dma_start3A_45 = tpu.memref_slice %arg7[%dma_start3A_32, %dma_start3A_43, %dma_start3A_44] : memref<2x1x256xi32, #tpu.memory_space<vmem>> -> memref<1x1x256xi32, #tpu.memory_space<vmem>>
    %dma_start3A_46 = tpu.memref_squeeze %dma_start3A_45 : memref<1x1x256xi32, #tpu.memory_space<vmem>> -> memref<1x256xi32, #tpu.memory_space<vmem>>
    %dma_start3A_47 = arith.constant 0 : i32
    %dma_start3A_48 = arith.constant 0 : i32
    %dma_start3A_49 = tpu.memref_slice %arg3[%dma_start3A, %dma_start3A_47, %dma_start3A_48] : memref<2x1250x256xi32, #tpu.memory_space<hbm>> -> memref<1x1250x256xi32, #tpu.memory_space<hbm>>
    %dma_start3A_50 = tpu.memref_squeeze %dma_start3A_49 : memref<1x1250x256xi32, #tpu.memory_space<hbm>> -> memref<1250x256xi32, #tpu.memory_space<hbm>>
    %dma_start3A_51 = arith.constant 0 : i32
    %dma_start3A_52 = tpu.memref_slice %dma_start3A_50[%select_n3A, %dma_start3A_51] : memref<1250x256xi32, #tpu.memory_space<hbm>> -> memref<1x256xi32, #tpu.memory_space<hbm>>
    tpu.enqueue_dma source(%dma_start3A_52 : memref<1x256xi32, #tpu.memory_space<hbm>>) target(%dma_start3A_46 : memref<1x256xi32, #tpu.memory_space<vmem>>) target_semaphore(%arg14 : memref<!tpu.dma_semaphore, #tpu.memory_space<semaphore_mem>>)
    %dma_start3A_53 = arith.constant 1 : i32
    %dma_start3A_54 = arith.constant 0 : i32
    %dma_start3A_55 = arith.constant 0 : i32
    %dma_start3A_56 = arith.constant 0 : i32
    %dma_start3A_57 = tpu.memref_slice %arg8[%dma_start3A_54, %dma_start3A_55, %dma_start3A_56] : memref<2x1x256xi32, #tpu.memory_space<vmem>> -> memref<1x1x256xi32, #tpu.memory_space<vmem>>
    %dma_start3A_58 = tpu.memref_squeeze %dma_start3A_57 : memref<1x1x256xi32, #tpu.memory_space<vmem>> -> memref<1x256xi32, #tpu.memory_space<vmem>>
    %dma_start3A_59 = arith.constant 0 : i32
    %dma_start3A_60 = arith.constant 0 : i32
    %dma_start3A_61 = tpu.memref_slice %arg3[%dma_start3A_53, %dma_start3A_59, %dma_start3A_60] : memref<2x1250x256xi32, #tpu.memory_space<hbm>> -> memref<1x1250x256xi32, #tpu.memory_space<hbm>>
    %dma_start3A_62 = tpu.memref_squeeze %dma_start3A_61 : memref<1x1250x256xi32, #tpu.memory_space<hbm>> -> memref<1250x256xi32, #tpu.memory_space<hbm>>
    %dma_start3A_63 = arith.constant 0 : i32
    %dma_start3A_64 = tpu.memref_slice %dma_start3A_62[%select_n3A, %dma_start3A_63] : memref<1250x256xi32, #tpu.memory_space<hbm>> -> memref<1x256xi32, #tpu.memory_space<hbm>>
    %dma_start3A_65 = arith.constant 0 : i32
    %dma_start3A_66 = arith.constant 0 : i32
    %dma_start3A_67 = tpu.memref_slice %arg8[%dma_start3A_54, %dma_start3A_65, %dma_start3A_66] : memref<2x1x256xi32, #tpu.memory_space<vmem>> -> memref<1x1x256xi32, #tpu.memory_space<vmem>>
    %dma_start3A_68 = tpu.memref_squeeze %dma_start3A_67 : memref<1x1x256xi32, #tpu.memory_space<vmem>> -> memref<1x256xi32, #tpu.memory_space<vmem>>
    %dma_start3A_69 = arith.constant 0 : i32
    %dma_start3A_70 = arith.constant 0 : i32
    %dma_start3A_71 = tpu.memref_slice %arg3[%dma_start3A_53, %dma_start3A_69, %dma_start3A_70] : memref<2x1250x256xi32, #tpu.memory_space<hbm>> -> memref<1x1250x256xi32, #tpu.memory_space<hbm>>
    %dma_start3A_72 = tpu.memref_squeeze %dma_start3A_71 : memref<1x1250x256xi32, #tpu.memory_space<hbm>> -> memref<1250x256xi32, #tpu.memory_space<hbm>>
    %dma_start3A_73 = arith.constant 0 : i32
    %dma_start3A_74 = tpu.memref_slice %dma_start3A_72[%select_n3A, %dma_start3A_73] : memref<1250x256xi32, #tpu.memory_space<hbm>> -> memref<1x256xi32, #tpu.memory_space<hbm>>
    tpu.enqueue_dma source(%dma_start3A_74 : memref<1x256xi32, #tpu.memory_space<hbm>>) target(%dma_start3A_68 : memref<1x256xi32, #tpu.memory_space<vmem>>) target_semaphore(%arg15 : memref<!tpu.dma_semaphore, #tpu.memory_space<semaphore_mem>>)
    %while3A = arith.constant 0 : i32
    %while3A_75 = arith.constant 0 : i32
    %while3A_76 = arith.subi %select_n3A_20, %while3A : i32
    %while3A_77 = arith.addi %while3A, %while3A_76 : i32
    %while3A_78 = arith.constant 1 : i32
    %while3A_79 = arith.divsi %while3A_76, %while3A_78 : i32
    %while3A_80 = arith.muli %while3A_79, %while3A_78 : i32
    %while3A_81 = arith.addi %while3A, %while3A_80 : i32
    %while3A_82 = arith.constant 1 : i32
    %while3A_83 = scf.for %while3A_137 = %while3A to %while3A_81 step %while3A_82 iter_args(%while3A_138 = %while3A_75) -> (i32)  : i32 {
      %rem3A_139 = arith.constant 2 : i32
      %rem3A_140 = arith.remsi %while3A_137, %rem3A_139 : i32
      %add3A_141 = arith.constant 1 : i32
      %add3A_142 = arith.addi %while3A_137, %add3A_141 : i32
      %rem3A_143 = arith.constant 2 : i32
      %rem3A_144 = arith.remsi %add3A_142, %rem3A_143 : i32
      %add3A_145 = arith.addi %select_n3A, %while3A_137 : i32
      %dma_wait3A_146 = arith.constant 0 : i32
      %dma_wait3A_147 = arith.constant 0 : i32
      %dma_wait3A_148 = arith.constant 0 : i32
      %dma_wait3A_149 = tpu.memref_slice %arg7[%rem3A_140, %dma_wait3A_147, %dma_wait3A_148] : memref<2x1x256xi32, #tpu.memory_space<vmem>> -> memref<1x1x256xi32, #tpu.memory_space<vmem>>
      %dma_wait3A_150 = tpu.memref_squeeze %dma_wait3A_149 : memref<1x1x256xi32, #tpu.memory_space<vmem>> -> memref<1x256xi32, #tpu.memory_space<vmem>>
      %dma_wait3A_151 = arith.constant 0 : i32
      %dma_wait3A_152 = arith.constant 0 : i32
      %dma_wait3A_153 = tpu.memref_slice %arg3[%dma_wait3A_146, %dma_wait3A_151, %dma_wait3A_152] : memref<2x1250x256xi32, #tpu.memory_space<hbm>> -> memref<1x1250x256xi32, #tpu.memory_space<hbm>>
      %dma_wait3A_154 = tpu.memref_squeeze %dma_wait3A_153 : memref<1x1250x256xi32, #tpu.memory_space<hbm>> -> memref<1250x256xi32, #tpu.memory_space<hbm>>
      %dma_wait3A_155 = arith.constant 0 : i32
      %dma_wait3A_156 = tpu.memref_slice %dma_wait3A_154[%add3A_145, %dma_wait3A_155] : memref<1250x256xi32, #tpu.memory_space<hbm>> -> memref<1x256xi32, #tpu.memory_space<hbm>>
      %dma_wait3A_157 = arith.constant 0 : i32
      %dma_wait3A_158 = arith.constant 0 : i32
      %dma_wait3A_159 = tpu.memref_slice %arg7[%rem3A_140, %dma_wait3A_157, %dma_wait3A_158] : memref<2x1x256xi32, #tpu.memory_space<vmem>> -> memref<1x1x256xi32, #tpu.memory_space<vmem>>
      %dma_wait3A_160 = tpu.memref_squeeze %dma_wait3A_159 : memref<1x1x256xi32, #tpu.memory_space<vmem>> -> memref<1x256xi32, #tpu.memory_space<vmem>>
      %dma_wait3A_161 = arith.constant 0 : i32
      %dma_wait3A_162 = arith.constant 0 : i32
      %dma_wait3A_163 = tpu.memref_slice %arg3[%dma_wait3A_146, %dma_wait3A_161, %dma_wait3A_162] : memref<2x1250x256xi32, #tpu.memory_space<hbm>> -> memref<1x1250x256xi32, #tpu.memory_space<hbm>>
      %dma_wait3A_164 = tpu.memref_squeeze %dma_wait3A_163 : memref<1x1250x256xi32, #tpu.memory_space<hbm>> -> memref<1250x256xi32, #tpu.memory_space<hbm>>
      %dma_wait3A_165 = arith.constant 0 : i32
      %dma_wait3A_166 = tpu.memref_slice %dma_wait3A_164[%add3A_145, %dma_wait3A_165] : memref<1250x256xi32, #tpu.memory_space<hbm>> -> memref<1x256xi32, #tpu.memory_space<hbm>>
      tpu.wait_dma2 semaphore(%arg14 : memref<!tpu.dma_semaphore, #tpu.memory_space<semaphore_mem>>) src(%dma_wait3A_166 : memref<1x256xi32, #tpu.memory_space<hbm>>) dst(%dma_wait3A_160 : memref<1x256xi32, #tpu.memory_space<vmem>>)
      %dma_wait3A_167 = arith.constant 1 : i32
      %dma_wait3A_168 = arith.constant 0 : i32
      %dma_wait3A_169 = arith.constant 0 : i32
      %dma_wait3A_170 = tpu.memref_slice %arg8[%rem3A_140, %dma_wait3A_168, %dma_wait3A_169] : memref<2x1x256xi32, #tpu.memory_space<vmem>> -> memref<1x1x256xi32, #tpu.memory_space<vmem>>
      %dma_wait3A_171 = tpu.memref_squeeze %dma_wait3A_170 : memref<1x1x256xi32, #tpu.memory_space<vmem>> -> memref<1x256xi32, #tpu.memory_space<vmem>>
      %dma_wait3A_172 = arith.constant 0 : i32
      %dma_wait3A_173 = arith.constant 0 : i32
      %dma_wait3A_174 = tpu.memref_slice %arg3[%dma_wait3A_167, %dma_wait3A_172, %dma_wait3A_173] : memref<2x1250x256xi32, #tpu.memory_space<hbm>> -> memref<1x1250x256xi32, #tpu.memory_space<hbm>>
      %dma_wait3A_175 = tpu.memref_squeeze %dma_wait3A_174 : memref<1x1250x256xi32, #tpu.memory_space<hbm>> -> memref<1250x256xi32, #tpu.memory_space<hbm>>
      %dma_wait3A_176 = arith.constant 0 : i32
      %dma_wait3A_177 = tpu.memref_slice %dma_wait3A_175[%add3A_145, %dma_wait3A_176] : memref<1250x256xi32, #tpu.memory_space<hbm>> -> memref<1x256xi32, #tpu.memory_space<hbm>>
      %dma_wait3A_178 = arith.constant 0 : i32
      %dma_wait3A_179 = arith.constant 0 : i32
      %dma_wait3A_180 = tpu.memref_slice %arg8[%rem3A_140, %dma_wait3A_178, %dma_wait3A_179] : memref<2x1x256xi32, #tpu.memory_space<vmem>> -> memref<1x1x256xi32, #tpu.memory_space<vmem>>
      %dma_wait3A_181 = tpu.memref_squeeze %dma_wait3A_180 : memref<1x1x256xi32, #tpu.memory_space<vmem>> -> memref<1x256xi32, #tpu.memory_space<vmem>>
      %dma_wait3A_182 = arith.constant 0 : i32
      %dma_wait3A_183 = arith.constant 0 : i32
      %dma_wait3A_184 = tpu.memref_slice %arg3[%dma_wait3A_167, %dma_wait3A_182, %dma_wait3A_183] : memref<2x1250x256xi32, #tpu.memory_space<hbm>> -> memref<1x1250x256xi32, #tpu.memory_space<hbm>>
      %dma_wait3A_185 = tpu.memref_squeeze %dma_wait3A_184 : memref<1x1250x256xi32, #tpu.memory_space<hbm>> -> memref<1250x256xi32, #tpu.memory_space<hbm>>
      %dma_wait3A_186 = arith.constant 0 : i32
      %dma_wait3A_187 = tpu.memref_slice %dma_wait3A_185[%add3A_145, %dma_wait3A_186] : memref<1250x256xi32, #tpu.memory_space<hbm>> -> memref<1x256xi32, #tpu.memory_space<hbm>>
      tpu.wait_dma2 semaphore(%arg15 : memref<!tpu.dma_semaphore, #tpu.memory_space<semaphore_mem>>) src(%dma_wait3A_187 : memref<1x256xi32, #tpu.memory_space<hbm>>) dst(%dma_wait3A_181 : memref<1x256xi32, #tpu.memory_space<vmem>>)
      %add3A_188 = arith.addi %select_n3A, %while3A_137 : i32
      %add3A_189 = arith.constant 1 : i32
      %add3A_190 = arith.addi %add3A_188, %add3A_189 : i32
      %min3A_191 = arith.constant 1249 : i32
      %min3A_192 = arith.minsi %add3A_190, %min3A_191 : i32
      %dma_start3A_193 = arith.constant 0 : i32
      %dma_start3A_194 = arith.constant 0 : i32
      %dma_start3A_195 = arith.constant 0 : i32
      %dma_start3A_196 = tpu.memref_slice %arg7[%rem3A_144, %dma_start3A_194, %dma_start3A_195] : memref<2x1x256xi32, #tpu.memory_space<vmem>> -> memref<1x1x256xi32, #tpu.memory_space<vmem>>
      %dma_start3A_197 = tpu.memref_squeeze %dma_start3A_196 : memref<1x1x256xi32, #tpu.memory_space<vmem>> -> memref<1x256xi32, #tpu.memory_space<vmem>>
      %dma_start3A_198 = arith.constant 0 : i32
      %dma_start3A_199 = arith.constant 0 : i32
      %dma_start3A_200 = tpu.memref_slice %arg3[%dma_start3A_193, %dma_start3A_198, %dma_start3A_199] : memref<2x1250x256xi32, #tpu.memory_space<hbm>> -> memref<1x1250x256xi32, #tpu.memory_space<hbm>>
      %dma_start3A_201 = tpu.memref_squeeze %dma_start3A_200 : memref<1x1250x256xi32, #tpu.memory_space<hbm>> -> memref<1250x256xi32, #tpu.memory_space<hbm>>
      %dma_start3A_202 = arith.constant 0 : i32
      %dma_start3A_203 = tpu.memref_slice %dma_start3A_201[%min3A_192, %dma_start3A_202] : memref<1250x256xi32, #tpu.memory_space<hbm>> -> memref<1x256xi32, #tpu.memory_space<hbm>>
      %dma_start3A_204 = arith.constant 0 : i32
      %dma_start3A_205 = arith.constant 0 : i32
      %dma_start3A_206 = tpu.memref_slice %arg7[%rem3A_144, %dma_start3A_204, %dma_start3A_205] : memref<2x1x256xi32, #tpu.memory_space<vmem>> -> memref<1x1x256xi32, #tpu.memory_space<vmem>>
      %dma_start3A_207 = tpu.memref_squeeze %dma_start3A_206 : memref<1x1x256xi32, #tpu.memory_space<vmem>> -> memref<1x256xi32, #tpu.memory_space<vmem>>
      %dma_start3A_208 = arith.constant 0 : i32
      %dma_start3A_209 = arith.constant 0 : i32
      %dma_start3A_210 = tpu.memref_slice %arg3[%dma_start3A_193, %dma_start3A_208, %dma_start3A_209] : memref<2x1250x256xi32, #tpu.memory_space<hbm>> -> memref<1x1250x256xi32, #tpu.memory_space<hbm>>
      %dma_start3A_211 = tpu.memref_squeeze %dma_start3A_210 : memref<1x1250x256xi32, #tpu.memory_space<hbm>> -> memref<1250x256xi32, #tpu.memory_space<hbm>>
      %dma_start3A_212 = arith.constant 0 : i32
      %dma_start3A_213 = tpu.memref_slice %dma_start3A_211[%min3A_192, %dma_start3A_212] : memref<1250x256xi32, #tpu.memory_space<hbm>> -> memref<1x256xi32, #tpu.memory_space<hbm>>
      tpu.enqueue_dma source(%dma_start3A_213 : memref<1x256xi32, #tpu.memory_space<hbm>>) target(%dma_start3A_207 : memref<1x256xi32, #tpu.memory_space<vmem>>) target_semaphore(%arg14 : memref<!tpu.dma_semaphore, #tpu.memory_space<semaphore_mem>>)
      %dma_start3A_214 = arith.constant 1 : i32
      %dma_start3A_215 = arith.constant 0 : i32
      %dma_start3A_216 = arith.constant 0 : i32
      %dma_start3A_217 = tpu.memref_slice %arg8[%rem3A_144, %dma_start3A_215, %dma_start3A_216] : memref<2x1x256xi32, #tpu.memory_space<vmem>> -> memref<1x1x256xi32, #tpu.memory_space<vmem>>
      %dma_start3A_218 = tpu.memref_squeeze %dma_start3A_217 : memref<1x1x256xi32, #tpu.memory_space<vmem>> -> memref<1x256xi32, #tpu.memory_space<vmem>>
      %dma_start3A_219 = arith.constant 0 : i32
      %dma_start3A_220 = arith.constant 0 : i32
      %dma_start3A_221 = tpu.memref_slice %arg3[%dma_start3A_214, %dma_start3A_219, %dma_start3A_220] : memref<2x1250x256xi32, #tpu.memory_space<hbm>> -> memref<1x1250x256xi32, #tpu.memory_space<hbm>>
      %dma_start3A_222 = tpu.memref_squeeze %dma_start3A_221 : memref<1x1250x256xi32, #tpu.memory_space<hbm>> -> memref<1250x256xi32, #tpu.memory_space<hbm>>
      %dma_start3A_223 = arith.constant 0 : i32
      %dma_start3A_224 = tpu.memref_slice %dma_start3A_222[%min3A_192, %dma_start3A_223] : memref<1250x256xi32, #tpu.memory_space<hbm>> -> memref<1x256xi32, #tpu.memory_space<hbm>>
      %dma_start3A_225 = arith.constant 0 : i32
      %dma_start3A_226 = arith.constant 0 : i32
      %dma_start3A_227 = tpu.memref_slice %arg8[%rem3A_144, %dma_start3A_225, %dma_start3A_226] : memref<2x1x256xi32, #tpu.memory_space<vmem>> -> memref<1x1x256xi32, #tpu.memory_space<vmem>>
      %dma_start3A_228 = tpu.memref_squeeze %dma_start3A_227 : memref<1x1x256xi32, #tpu.memory_space<vmem>> -> memref<1x256xi32, #tpu.memory_space<vmem>>
      %dma_start3A_229 = arith.constant 0 : i32
      %dma_start3A_230 = arith.constant 0 : i32
      %dma_start3A_231 = tpu.memref_slice %arg3[%dma_start3A_214, %dma_start3A_229, %dma_start3A_230] : memref<2x1250x256xi32, #tpu.memory_space<hbm>> -> memref<1x1250x256xi32, #tpu.memory_space<hbm>>
      %dma_start3A_232 = tpu.memref_squeeze %dma_start3A_231 : memref<1x1250x256xi32, #tpu.memory_space<hbm>> -> memref<1250x256xi32, #tpu.memory_space<hbm>>
      %dma_start3A_233 = arith.constant 0 : i32
      %dma_start3A_234 = tpu.memref_slice %dma_start3A_232[%min3A_192, %dma_start3A_233] : memref<1250x256xi32, #tpu.memory_space<hbm>> -> memref<1x256xi32, #tpu.memory_space<hbm>>
      tpu.enqueue_dma source(%dma_start3A_234 : memref<1x256xi32, #tpu.memory_space<hbm>>) target(%dma_start3A_228 : memref<1x256xi32, #tpu.memory_space<vmem>>) target_semaphore(%arg15 : memref<!tpu.dma_semaphore, #tpu.memory_space<semaphore_mem>>)
      %dma_start3A_235 = arith.constant 0 : i32
      %dma_start3A_236 = arith.constant 0 : i32
      %dma_start3A_237 = tpu.memref_slice %arg7[%rem3A_140, %dma_start3A_235, %dma_start3A_236] : memref<2x1x256xi32, #tpu.memory_space<vmem>> -> memref<1x1x256xi32, #tpu.memory_space<vmem>>
      %dma_start3A_238 = tpu.memref_squeeze %dma_start3A_237 : memref<1x1x256xi32, #tpu.memory_space<vmem>> -> memref<256xi32, #tpu.memory_space<vmem>>
      %dma_start3A_239 = arith.constant 0 : i32
      %dma_start3A_240 = arith.constant 0 : i32
      %dma_start3A_241 = tpu.memref_slice %arg2[%dma_start3A_239, %dma_start3A_240] : memref<10000x128xf32, #tpu.memory_space<hbm>> -> memref<10000x128xf32, #tpu.memory_space<hbm>>
      tpu.enqueue_indirect_dma source(%dma_start3A_241 : memref<10000x128xf32, #tpu.memory_space<hbm>>) target(%arg9 : memref<256x128xf32, #tpu.memory_space<vmem>>) offsets(%dma_start3A_238 : memref<256xi32, #tpu.memory_space<vmem>>) semaphore(%arg12 : memref<!tpu.dma_semaphore, #tpu.memory_space<semaphore_mem>>)
      %get3A = arith.constant 0 : i32
      %get3A_242 = arith.index_cast %rem3A_140 : i32 to index
      %get3A_243 = arith.index_cast %get3A : i32 to index
      %get3A_244 = arith.constant 0 : index
      %get3A_245 = tpu.vector_load %arg8[%get3A_242, %get3A_243, %get3A_244] {strides = array<i32>} : memref<2x1x256xi32, #tpu.memory_space<vmem>>, vector<16xi32>,
      tpu.vector_store_idx %arg10[%get3A_245], %broadcast_in_dim3A_31 {add = true} : memref<10112xf32, #tpu.memory_space<vmem>>[vector<16xi32>], vector<16xf32>,
      %get3A_246 = arith.constant 0 : i32
      %get3A_247 = arith.index_cast %rem3A_140 : i32 to index
      %get3A_248 = arith.index_cast %get3A_246 : i32 to index
      %get3A_249 = arith.constant 16 : index
      %get3A_250 = tpu.vector_load %arg8[%get3A_247, %get3A_248, %get3A_249] {strides = array<i32>} : memref<2x1x256xi32, #tpu.memory_space<vmem>>, vector<16xi32>,
      tpu.vector_store_idx %arg10[%get3A_250], %broadcast_in_dim3A_31 {add = true} : memref<10112xf32, #tpu.memory_space<vmem>>[vector<16xi32>], vector<16xf32>,
      %get3A_251 = arith.constant 0 : i32
      %get3A_252 = arith.index_cast %rem3A_140 : i32 to index
      %get3A_253 = arith.index_cast %get3A_251 : i32 to index
      %get3A_254 = arith.constant 32 : index
      %get3A_255 = tpu.vector_load %arg8[%get3A_252, %get3A_253, %get3A_254] {strides = array<i32>} : memref<2x1x256xi32, #tpu.memory_space<vmem>>, vector<16xi32>,
      tpu.vector_store_idx %arg10[%get3A_255], %broadcast_in_dim3A_31 {add = true} : memref<10112xf32, #tpu.memory_space<vmem>>[vector<16xi32>], vector<16xf32>,
      %get3A_256 = arith.constant 0 : i32
      %get3A_257 = arith.index_cast %rem3A_140 : i32 to index
      %get3A_258 = arith.index_cast %get3A_256 : i32 to index
      %get3A_259 = arith.constant 48 : index
      %get3A_260 = tpu.vector_load %arg8[%get3A_257, %get3A_258, %get3A_259] {strides = array<i32>} : memref<2x1x256xi32, #tpu.memory_space<vmem>>, vector<16xi32>,
      tpu.vector_store_idx %arg10[%get3A_260], %broadcast_in_dim3A_31 {add = true} : memref<10112xf32, #tpu.memory_space<vmem>>[vector<16xi32>], vector<16xf32>,
      %get3A_261 = arith.constant 0 : i32
      %get3A_262 = arith.index_cast %rem3A_140 : i32 to index
      %get3A_263 = arith.index_cast %get3A_261 : i32 to index
      %get3A_264 = arith.constant 64 : index
      %get3A_265 = tpu.vector_load %arg8[%get3A_262, %get3A_263, %get3A_264] {strides = array<i32>} : memref<2x1x256xi32, #tpu.memory_space<vmem>>, vector<16xi32>,
      tpu.vector_store_idx %arg10[%get3A_265], %broadcast_in_dim3A_31 {add = true} : memref<10112xf32, #tpu.memory_space<vmem>>[vector<16xi32>], vector<16xf32>,
      %get3A_266 = arith.constant 0 : i32
      %get3A_267 = arith.index_cast %rem3A_140 : i32 to index
      %get3A_268 = arith.index_cast %get3A_266 : i32 to index
      %get3A_269 = arith.constant 80 : index
      %get3A_270 = tpu.vector_load %arg8[%get3A_267, %get3A_268, %get3A_269] {strides = array<i32>} : memref<2x1x256xi32, #tpu.memory_space<vmem>>, vector<16xi32>,
      tpu.vector_store_idx %arg10[%get3A_270], %broadcast_in_dim3A_31 {add = true} : memref<10112xf32, #tpu.memory_space<vmem>>[vector<16xi32>], vector<16xf32>,
      %get3A_271 = arith.constant 0 : i32
      %get3A_272 = arith.index_cast %rem3A_140 : i32 to index
      %get3A_273 = arith.index_cast %get3A_271 : i32 to index
      %get3A_274 = arith.constant 96 : index
      %get3A_275 = tpu.vector_load %arg8[%get3A_272, %get3A_273, %get3A_274] {strides = array<i32>} : memref<2x1x256xi32, #tpu.memory_space<vmem>>, vector<16xi32>,
      tpu.vector_store_idx %arg10[%get3A_275], %broadcast_in_dim3A_31 {add = true} : memref<10112xf32, #tpu.memory_space<vmem>>[vector<16xi32>], vector<16xf32>,
      %get3A_276 = arith.constant 0 : i32
      %get3A_277 = arith.index_cast %rem3A_140 : i32 to index
      %get3A_278 = arith.index_cast %get3A_276 : i32 to index
      %get3A_279 = arith.constant 112 : index
      %get3A_280 = tpu.vector_load %arg8[%get3A_277, %get3A_278, %get3A_279] {strides = array<i32>} : memref<2x1x256xi32, #tpu.memory_space<vmem>>, vector<16xi32>,
      tpu.vector_store_idx %arg10[%get3A_280], %broadcast_in_dim3A_31 {add = true} : memref<10112xf32, #tpu.memory_space<vmem>>[vector<16xi32>], vector<16xf32>,
      %get3A_281 = arith.constant 0 : i32
      %get3A_282 = arith.index_cast %rem3A_140 : i32 to index
      %get3A_283 = arith.index_cast %get3A_281 : i32 to index
      %get3A_284 = arith.constant 128 : index
      %get3A_285 = tpu.vector_load %arg8[%get3A_282, %get3A_283, %get3A_284] {strides = array<i32>} : memref<2x1x256xi32, #tpu.memory_space<vmem>>, vector<16xi32>,
      tpu.vector_store_idx %arg10[%get3A_285], %broadcast_in_dim3A_31 {add = true} : memref<10112xf32, #tpu.memory_space<vmem>>[vector<16xi32>], vector<16xf32>,
      %get3A_286 = arith.constant 0 : i32
      %get3A_287 = arith.index_cast %rem3A_140 : i32 to index
      %get3A_288 = arith.index_cast %get3A_286 : i32 to index
      %get3A_289 = arith.constant 144 : index
      %get3A_290 = tpu.vector_load %arg8[%get3A_287, %get3A_288, %get3A_289] {strides = array<i32>} : memref<2x1x256xi32, #tpu.memory_space<vmem>>, vector<16xi32>,
      tpu.vector_store_idx %arg10[%get3A_290], %broadcast_in_dim3A_31 {add = true} : memref<10112xf32, #tpu.memory_space<vmem>>[vector<16xi32>], vector<16xf32>,
      %get3A_291 = arith.constant 0 : i32
      %get3A_292 = arith.index_cast %rem3A_140 : i32 to index
      %get3A_293 = arith.index_cast %get3A_291 : i32 to index
      %get3A_294 = arith.constant 160 : index
      %get3A_295 = tpu.vector_load %arg8[%get3A_292, %get3A_293, %get3A_294] {strides = array<i32>} : memref<2x1x256xi32, #tpu.memory_space<vmem>>, vector<16xi32>,
      tpu.vector_store_idx %arg10[%get3A_295], %broadcast_in_dim3A_31 {add = true} : memref<10112xf32, #tpu.memory_space<vmem>>[vector<16xi32>], vector<16xf32>,
      %get3A_296 = arith.constant 0 : i32
      %get3A_297 = arith.index_cast %rem3A_140 : i32 to index
      %get3A_298 = arith.index_cast %get3A_296 : i32 to index
      %get3A_299 = arith.constant 176 : index
      %get3A_300 = tpu.vector_load %arg8[%get3A_297, %get3A_298, %get3A_299] {strides = array<i32>} : memref<2x1x256xi32, #tpu.memory_space<vmem>>, vector<16xi32>,
      tpu.vector_store_idx %arg10[%get3A_300], %broadcast_in_dim3A_31 {add = true} : memref<10112xf32, #tpu.memory_space<vmem>>[vector<16xi32>], vector<16xf32>,
      %get3A_301 = arith.constant 0 : i32
      %get3A_302 = arith.index_cast %rem3A_140 : i32 to index
      %get3A_303 = arith.index_cast %get3A_301 : i32 to index
      %get3A_304 = arith.constant 192 : index
      %get3A_305 = tpu.vector_load %arg8[%get3A_302, %get3A_303, %get3A_304] {strides = array<i32>} : memref<2x1x256xi32, #tpu.memory_space<vmem>>, vector<16xi32>,
      tpu.vector_store_idx %arg10[%get3A_305], %broadcast_in_dim3A_31 {add = true} : memref<10112xf32, #tpu.memory_space<vmem>>[vector<16xi32>], vector<16xf32>,
      %get3A_306 = arith.constant 0 : i32
      %get3A_307 = arith.index_cast %rem3A_140 : i32 to index
      %get3A_308 = arith.index_cast %get3A_306 : i32 to index
      %get3A_309 = arith.constant 208 : index
      %get3A_310 = tpu.vector_load %arg8[%get3A_307, %get3A_308, %get3A_309] {strides = array<i32>} : memref<2x1x256xi32, #tpu.memory_space<vmem>>, vector<16xi32>,
      tpu.vector_store_idx %arg10[%get3A_310], %broadcast_in_dim3A_31 {add = true} : memref<10112xf32, #tpu.memory_space<vmem>>[vector<16xi32>], vector<16xf32>,
      %get3A_311 = arith.constant 0 : i32
      %get3A_312 = arith.index_cast %rem3A_140 : i32 to index
      %get3A_313 = arith.index_cast %get3A_311 : i32 to index
      %get3A_314 = arith.constant 224 : index
      %get3A_315 = tpu.vector_load %arg8[%get3A_312, %get3A_313, %get3A_314] {strides = array<i32>} : memref<2x1x256xi32, #tpu.memory_space<vmem>>, vector<16xi32>,
      tpu.vector_store_idx %arg10[%get3A_315], %broadcast_in_dim3A_31 {add = true} : memref<10112xf32, #tpu.memory_space<vmem>>[vector<16xi32>], vector<16xf32>,
      %get3A_316 = arith.constant 0 : i32
      %get3A_317 = arith.index_cast %rem3A_140 : i32 to index
      %get3A_318 = arith.index_cast %get3A_316 : i32 to index
      %get3A_319 = arith.constant 240 : index
      %get3A_320 = tpu.vector_load %arg8[%get3A_317, %get3A_318, %get3A_319] {strides = array<i32>} : memref<2x1x256xi32, #tpu.memory_space<vmem>>, vector<16xi32>,
      tpu.vector_store_idx %arg10[%get3A_320], %broadcast_in_dim3A_31 {add = true} : memref<10112xf32, #tpu.memory_space<vmem>>[vector<16xi32>], vector<16xf32>,
      %dma_wait3A_321 = arith.constant 0 : i32
      %dma_wait3A_322 = arith.constant 0 : i32
      %dma_wait3A_323 = tpu.memref_slice %arg7[%rem3A_140, %dma_wait3A_321, %dma_wait3A_322] : memref<2x1x256xi32, #tpu.memory_space<vmem>> -> memref<1x1x256xi32, #tpu.memory_space<vmem>>
      %dma_wait3A_324 = tpu.memref_squeeze %dma_wait3A_323 : memref<1x1x256xi32, #tpu.memory_space<vmem>> -> memref<256xi32, #tpu.memory_space<vmem>>
      %dma_wait3A_325 = arith.constant 0 : i32
      %dma_wait3A_326 = arith.constant 0 : i32
      %dma_wait3A_327 = tpu.memref_slice %arg2[%dma_wait3A_325, %dma_wait3A_326] : memref<10000x128xf32, #tpu.memory_space<hbm>> -> memref<10000x128xf32, #tpu.memory_space<hbm>>
      tpu.wait_indirect_dma semaphore(%arg12 : memref<!tpu.dma_semaphore, #tpu.memory_space<semaphore_mem>>) src(%dma_wait3A_327 : memref<10000x128xf32, #tpu.memory_space<hbm>>) dst(%arg9 : memref<256x128xf32, #tpu.memory_space<vmem>>)
      %run_scoped3A = arith.constant 0 : i32
      "tpu.region"() ({
        %run_scoped3A_329 = tpu.sem_alloc : memref<!tpu.dma_semaphore, #tpu.memory_space<semaphore_mem>>
        %dma_start3A_330 = arith.constant 0 : i32
        %dma_start3A_331 = tpu.memref_slice %arg8[%rem3A_140, %run_scoped3A, %dma_start3A_330] : memref<2x1x256xi32, #tpu.memory_space<vmem>> -> memref<1x1x256xi32, #tpu.memory_space<vmem>>
        %dma_start3A_332 = tpu.memref_squeeze %dma_start3A_331 : memref<1x1x256xi32, #tpu.memory_space<vmem>> -> memref<256xi32, #tpu.memory_space<vmem>>
        %dma_start3A_333 = arith.constant 0 : i32
        %dma_start3A_334 = arith.constant 0 : i32
        %dma_start3A_335 = tpu.memref_slice %arg11[%dma_start3A_333, %dma_start3A_334] : memref<10112x128xf32, #tpu.memory_space<vmem_shared>> -> memref<10112x128xf32, #tpu.memory_space<vmem_shared>>
        tpu.enqueue_indirect_dma source(%arg9 : memref<256x128xf32, #tpu.memory_space<vmem>>) target(%dma_start3A_335 : memref<10112x128xf32, #tpu.memory_space<vmem_shared>>) offsets(%dma_start3A_332 : memref<256xi32, #tpu.memory_space<vmem>>) semaphore(%run_scoped3A_329 : memref<!tpu.dma_semaphore, #tpu.memory_space<semaphore_mem>>) {add = true}
        %dma_wait3A_336 = arith.constant 0 : i32
        %dma_wait3A_337 = tpu.memref_slice %arg8[%rem3A_140, %run_scoped3A, %dma_wait3A_336] : memref<2x1x256xi32, #tpu.memory_space<vmem>> -> memref<1x1x256xi32, #tpu.memory_space<vmem>>
        %dma_wait3A_338 = tpu.memref_squeeze %dma_wait3A_337 : memref<1x1x256xi32, #tpu.memory_space<vmem>> -> memref<256xi32, #tpu.memory_space<vmem>>
        %dma_wait3A_339 = arith.constant 0 : i32
        %dma_wait3A_340 = arith.constant 0 : i32
        %dma_wait3A_341 = tpu.memref_slice %arg11[%dma_wait3A_339, %dma_wait3A_340] : memref<10112x128xf32, #tpu.memory_space<vmem_shared>> -> memref<10112x128xf32, #tpu.memory_space<vmem_shared>>
        tpu.wait_indirect_dma semaphore(%run_scoped3A_329 : memref<!tpu.dma_semaphore, #tpu.memory_space<semaphore_mem>>) src(%arg9 : memref<256x128xf32, #tpu.memory_space<vmem>>) dst(%dma_wait3A_341 : memref<10112x128xf32, #tpu.memory_space<vmem_shared>>)
        tpu.yield
      }) : () -> ()
      %while3A_328 = arith.constant 0 : i32
      scf.yield %while3A_328 : i32
    }
    %while3A_84 = arith.constant 1 : i32
    %while3A_85 = scf.for %while3A_137 = %while3A_81 to %while3A_77 step %while3A_84 iter_args(%while3A_138 = %while3A_83) -> (i32)  : i32 {
      %rem3A_139 = arith.constant 2 : i32
      %rem3A_140 = arith.remsi %while3A_137, %rem3A_139 : i32
      %add3A_141 = arith.constant 1 : i32
      %add3A_142 = arith.addi %while3A_137, %add3A_141 : i32
      %rem3A_143 = arith.constant 2 : i32
      %rem3A_144 = arith.remsi %add3A_142, %rem3A_143 : i32
      %add3A_145 = arith.addi %select_n3A, %while3A_137 : i32
      %dma_wait3A_146 = arith.constant 0 : i32
      %dma_wait3A_147 = arith.constant 0 : i32
      %dma_wait3A_148 = arith.constant 0 : i32
      %dma_wait3A_149 = tpu.memref_slice %arg7[%rem3A_140, %dma_wait3A_147, %dma_wait3A_148] : memref<2x1x256xi32, #tpu.memory_space<vmem>> -> memref<1x1x256xi32, #tpu.memory_space<vmem>>
      %dma_wait3A_150 = tpu.memref_squeeze %dma_wait3A_149 : memref<1x1x256xi32, #tpu.memory_space<vmem>> -> memref<1x256xi32, #tpu.memory_space<vmem>>
      %dma_wait3A_151 = arith.constant 0 : i32
      %dma_wait3A_152 = arith.constant 0 : i32
      %dma_wait3A_153 = tpu.memref_slice %arg3[%dma_wait3A_146, %dma_wait3A_151, %dma_wait3A_152] : memref<2x1250x256xi32, #tpu.memory_space<hbm>> -> memref<1x1250x256xi32, #tpu.memory_space<hbm>>
      %dma_wait3A_154 = tpu.memref_squeeze %dma_wait3A_153 : memref<1x1250x256xi32, #tpu.memory_space<hbm>> -> memref<1250x256xi32, #tpu.memory_space<hbm>>
      %dma_wait3A_155 = arith.constant 0 : i32
      %dma_wait3A_156 = tpu.memref_slice %dma_wait3A_154[%add3A_145, %dma_wait3A_155] : memref<1250x256xi32, #tpu.memory_space<hbm>> -> memref<1x256xi32, #tpu.memory_space<hbm>>
      %dma_wait3A_157 = arith.constant 0 : i32
      %dma_wait3A_158 = arith.constant 0 : i32
      %dma_wait3A_159 = tpu.memref_slice %arg7[%rem3A_140, %dma_wait3A_157, %dma_wait3A_158] : memref<2x1x256xi32, #tpu.memory_space<vmem>> -> memref<1x1x256xi32, #tpu.memory_space<vmem>>
      %dma_wait3A_160 = tpu.memref_squeeze %dma_wait3A_159 : memref<1x1x256xi32, #tpu.memory_space<vmem>> -> memref<1x256xi32, #tpu.memory_space<vmem>>
      %dma_wait3A_161 = arith.constant 0 : i32
      %dma_wait3A_162 = arith.constant 0 : i32
      %dma_wait3A_163 = tpu.memref_slice %arg3[%dma_wait3A_146, %dma_wait3A_161, %dma_wait3A_162] : memref<2x1250x256xi32, #tpu.memory_space<hbm>> -> memref<1x1250x256xi32, #tpu.memory_space<hbm>>
      %dma_wait3A_164 = tpu.memref_squeeze %dma_wait3A_163 : memref<1x1250x256xi32, #tpu.memory_space<hbm>> -> memref<1250x256xi32, #tpu.memory_space<hbm>>
      %dma_wait3A_165 = arith.constant 0 : i32
      %dma_wait3A_166 = tpu.memref_slice %dma_wait3A_164[%add3A_145, %dma_wait3A_165] : memref<1250x256xi32, #tpu.memory_space<hbm>> -> memref<1x256xi32, #tpu.memory_space<hbm>>
      tpu.wait_dma2 semaphore(%arg14 : memref<!tpu.dma_semaphore, #tpu.memory_space<semaphore_mem>>) src(%dma_wait3A_166 : memref<1x256xi32, #tpu.memory_space<hbm>>) dst(%dma_wait3A_160 : memref<1x256xi32, #tpu.memory_space<vmem>>)
      %dma_wait3A_167 = arith.constant 1 : i32
      %dma_wait3A_168 = arith.constant 0 : i32
      %dma_wait3A_169 = arith.constant 0 : i32
      %dma_wait3A_170 = tpu.memref_slice %arg8[%rem3A_140, %dma_wait3A_168, %dma_wait3A_169] : memref<2x1x256xi32, #tpu.memory_space<vmem>> -> memref<1x1x256xi32, #tpu.memory_space<vmem>>
      %dma_wait3A_171 = tpu.memref_squeeze %dma_wait3A_170 : memref<1x1x256xi32, #tpu.memory_space<vmem>> -> memref<1x256xi32, #tpu.memory_space<vmem>>
      %dma_wait3A_172 = arith.constant 0 : i32
      %dma_wait3A_173 = arith.constant 0 : i32
      %dma_wait3A_174 = tpu.memref_slice %arg3[%dma_wait3A_167, %dma_wait3A_172, %dma_wait3A_173] : memref<2x1250x256xi32, #tpu.memory_space<hbm>> -> memref<1x1250x256xi32, #tpu.memory_space<hbm>>
      %dma_wait3A_175 = tpu.memref_squeeze %dma_wait3A_174 : memref<1x1250x256xi32, #tpu.memory_space<hbm>> -> memref<1250x256xi32, #tpu.memory_space<hbm>>
      %dma_wait3A_176 = arith.constant 0 : i32
      %dma_wait3A_177 = tpu.memref_slice %dma_wait3A_175[%add3A_145, %dma_wait3A_176] : memref<1250x256xi32, #tpu.memory_space<hbm>> -> memref<1x256xi32, #tpu.memory_space<hbm>>
      %dma_wait3A_178 = arith.constant 0 : i32
      %dma_wait3A_179 = arith.constant 0 : i32
      %dma_wait3A_180 = tpu.memref_slice %arg8[%rem3A_140, %dma_wait3A_178, %dma_wait3A_179] : memref<2x1x256xi32, #tpu.memory_space<vmem>> -> memref<1x1x256xi32, #tpu.memory_space<vmem>>
      %dma_wait3A_181 = tpu.memref_squeeze %dma_wait3A_180 : memref<1x1x256xi32, #tpu.memory_space<vmem>> -> memref<1x256xi32, #tpu.memory_space<vmem>>
      %dma_wait3A_182 = arith.constant 0 : i32
      %dma_wait3A_183 = arith.constant 0 : i32
      %dma_wait3A_184 = tpu.memref_slice %arg3[%dma_wait3A_167, %dma_wait3A_182, %dma_wait3A_183] : memref<2x1250x256xi32, #tpu.memory_space<hbm>> -> memref<1x1250x256xi32, #tpu.memory_space<hbm>>
      %dma_wait3A_185 = tpu.memref_squeeze %dma_wait3A_184 : memref<1x1250x256xi32, #tpu.memory_space<hbm>> -> memref<1250x256xi32, #tpu.memory_space<hbm>>
      %dma_wait3A_186 = arith.constant 0 : i32
      %dma_wait3A_187 = tpu.memref_slice %dma_wait3A_185[%add3A_145, %dma_wait3A_186] : memref<1250x256xi32, #tpu.memory_space<hbm>> -> memref<1x256xi32, #tpu.memory_space<hbm>>
      tpu.wait_dma2 semaphore(%arg15 : memref<!tpu.dma_semaphore, #tpu.memory_space<semaphore_mem>>) src(%dma_wait3A_187 : memref<1x256xi32, #tpu.memory_space<hbm>>) dst(%dma_wait3A_181 : memref<1x256xi32, #tpu.memory_space<vmem>>)
      %add3A_188 = arith.addi %select_n3A, %while3A_137 : i32
      %add3A_189 = arith.constant 1 : i32
      %add3A_190 = arith.addi %add3A_188, %add3A_189 : i32
      %min3A_191 = arith.constant 1249 : i32
      %min3A_192 = arith.minsi %add3A_190, %min3A_191 : i32
      %dma_start3A_193 = arith.constant 0 : i32
      %dma_start3A_194 = arith.constant 0 : i32
      %dma_start3A_195 = arith.constant 0 : i32
      %dma_start3A_196 = tpu.memref_slice %arg7[%rem3A_144, %dma_start3A_194, %dma_start3A_195] : memref<2x1x256xi32, #tpu.memory_space<vmem>> -> memref<1x1x256xi32, #tpu.memory_space<vmem>>
      %dma_start3A_197 = tpu.memref_squeeze %dma_start3A_196 : memref<1x1x256xi32, #tpu.memory_space<vmem>> -> memref<1x256xi32, #tpu.memory_space<vmem>>
      %dma_start3A_198 = arith.constant 0 : i32
      %dma_start3A_199 = arith.constant 0 : i32
      %dma_start3A_200 = tpu.memref_slice %arg3[%dma_start3A_193, %dma_start3A_198, %dma_start3A_199] : memref<2x1250x256xi32, #tpu.memory_space<hbm>> -> memref<1x1250x256xi32, #tpu.memory_space<hbm>>
      %dma_start3A_201 = tpu.memref_squeeze %dma_start3A_200 : memref<1x1250x256xi32, #tpu.memory_space<hbm>> -> memref<1250x256xi32, #tpu.memory_space<hbm>>
      %dma_start3A_202 = arith.constant 0 : i32
      %dma_start3A_203 = tpu.memref_slice %dma_start3A_201[%min3A_192, %dma_start3A_202] : memref<1250x256xi32, #tpu.memory_space<hbm>> -> memref<1x256xi32, #tpu.memory_space<hbm>>
      %dma_start3A_204 = arith.constant 0 : i32
      %dma_start3A_205 = arith.constant 0 : i32
      %dma_start3A_206 = tpu.memref_slice %arg7[%rem3A_144, %dma_start3A_204, %dma_start3A_205] : memref<2x1x256xi32, #tpu.memory_space<vmem>> -> memref<1x1x256xi32, #tpu.memory_space<vmem>>
      %dma_start3A_207 = tpu.memref_squeeze %dma_start3A_206 : memref<1x1x256xi32, #tpu.memory_space<vmem>> -> memref<1x256xi32, #tpu.memory_space<vmem>>
      %dma_start3A_208 = arith.constant 0 : i32
      %dma_start3A_209 = arith.constant 0 : i32
      %dma_start3A_210 = tpu.memref_slice %arg3[%dma_start3A_193, %dma_start3A_208, %dma_start3A_209] : memref<2x1250x256xi32, #tpu.memory_space<hbm>> -> memref<1x1250x256xi32, #tpu.memory_space<hbm>>
      %dma_start3A_211 = tpu.memref_squeeze %dma_start3A_210 : memref<1x1250x256xi32, #tpu.memory_space<hbm>> -> memref<1250x256xi32, #tpu.memory_space<hbm>>
      %dma_start3A_212 = arith.constant 0 : i32
      %dma_start3A_213 = tpu.memref_slice %dma_start3A_211[%min3A_192, %dma_start3A_212] : memref<1250x256xi32, #tpu.memory_space<hbm>> -> memref<1x256xi32, #tpu.memory_space<hbm>>
      tpu.enqueue_dma source(%dma_start3A_213 : memref<1x256xi32, #tpu.memory_space<hbm>>) target(%dma_start3A_207 : memref<1x256xi32, #tpu.memory_space<vmem>>) target_semaphore(%arg14 : memref<!tpu.dma_semaphore, #tpu.memory_space<semaphore_mem>>)
      %dma_start3A_214 = arith.constant 1 : i32
      %dma_start3A_215 = arith.constant 0 : i32
      %dma_start3A_216 = arith.constant 0 : i32
      %dma_start3A_217 = tpu.memref_slice %arg8[%rem3A_144, %dma_start3A_215, %dma_start3A_216] : memref<2x1x256xi32, #tpu.memory_space<vmem>> -> memref<1x1x256xi32, #tpu.memory_space<vmem>>
      %dma_start3A_218 = tpu.memref_squeeze %dma_start3A_217 : memref<1x1x256xi32, #tpu.memory_space<vmem>> -> memref<1x256xi32, #tpu.memory_space<vmem>>
      %dma_start3A_219 = arith.constant 0 : i32
      %dma_start3A_220 = arith.constant 0 : i32
      %dma_start3A_221 = tpu.memref_slice %arg3[%dma_start3A_214, %dma_start3A_219, %dma_start3A_220] : memref<2x1250x256xi32, #tpu.memory_space<hbm>> -> memref<1x1250x256xi32, #tpu.memory_space<hbm>>
      %dma_start3A_222 = tpu.memref_squeeze %dma_start3A_221 : memref<1x1250x256xi32, #tpu.memory_space<hbm>> -> memref<1250x256xi32, #tpu.memory_space<hbm>>
      %dma_start3A_223 = arith.constant 0 : i32
      %dma_start3A_224 = tpu.memref_slice %dma_start3A_222[%min3A_192, %dma_start3A_223] : memref<1250x256xi32, #tpu.memory_space<hbm>> -> memref<1x256xi32, #tpu.memory_space<hbm>>
      %dma_start3A_225 = arith.constant 0 : i32
      %dma_start3A_226 = arith.constant 0 : i32
      %dma_start3A_227 = tpu.memref_slice %arg8[%rem3A_144, %dma_start3A_225, %dma_start3A_226] : memref<2x1x256xi32, #tpu.memory_space<vmem>> -> memref<1x1x256xi32, #tpu.memory_space<vmem>>
      %dma_start3A_228 = tpu.memref_squeeze %dma_start3A_227 : memref<1x1x256xi32, #tpu.memory_space<vmem>> -> memref<1x256xi32, #tpu.memory_space<vmem>>
      %dma_start3A_229 = arith.constant 0 : i32
      %dma_start3A_230 = arith.constant 0 : i32
      %dma_start3A_231 = tpu.memref_slice %arg3[%dma_start3A_214, %dma_start3A_229, %dma_start3A_230] : memref<2x1250x256xi32, #tpu.memory_space<hbm>> -> memref<1x1250x256xi32, #tpu.memory_space<hbm>>
      %dma_start3A_232 = tpu.memref_squeeze %dma_start3A_231 : memref<1x1250x256xi32, #tpu.memory_space<hbm>> -> memref<1250x256xi32, #tpu.memory_space<hbm>>
      %dma_start3A_233 = arith.constant 0 : i32
      %dma_start3A_234 = tpu.memref_slice %dma_start3A_232[%min3A_192, %dma_start3A_233] : memref<1250x256xi32, #tpu.memory_space<hbm>> -> memref<1x256xi32, #tpu.memory_space<hbm>>
      tpu.enqueue_dma source(%dma_start3A_234 : memref<1x256xi32, #tpu.memory_space<hbm>>) target(%dma_start3A_228 : memref<1x256xi32, #tpu.memory_space<vmem>>) target_semaphore(%arg15 : memref<!tpu.dma_semaphore, #tpu.memory_space<semaphore_mem>>)
      %dma_start3A_235 = arith.constant 0 : i32
      %dma_start3A_236 = arith.constant 0 : i32
      %dma_start3A_237 = tpu.memref_slice %arg7[%rem3A_140, %dma_start3A_235, %dma_start3A_236] : memref<2x1x256xi32, #tpu.memory_space<vmem>> -> memref<1x1x256xi32, #tpu.memory_space<vmem>>
      %dma_start3A_238 = tpu.memref_squeeze %dma_start3A_237 : memref<1x1x256xi32, #tpu.memory_space<vmem>> -> memref<256xi32, #tpu.memory_space<vmem>>
      %dma_start3A_239 = arith.constant 0 : i32
      %dma_start3A_240 = arith.constant 0 : i32
      %dma_start3A_241 = tpu.memref_slice %arg2[%dma_start3A_239, %dma_start3A_240] : memref<10000x128xf32, #tpu.memory_space<hbm>> -> memref<10000x128xf32, #tpu.memory_space<hbm>>
      tpu.enqueue_indirect_dma source(%dma_start3A_241 : memref<10000x128xf32, #tpu.memory_space<hbm>>) target(%arg9 : memref<256x128xf32, #tpu.memory_space<vmem>>) offsets(%dma_start3A_238 : memref<256xi32, #tpu.memory_space<vmem>>) semaphore(%arg12 : memref<!tpu.dma_semaphore, #tpu.memory_space<semaphore_mem>>)
      %get3A = arith.constant 0 : i32
      %get3A_242 = arith.index_cast %rem3A_140 : i32 to index
      %get3A_243 = arith.index_cast %get3A : i32 to index
      %get3A_244 = arith.constant 0 : index
      %get3A_245 = tpu.vector_load %arg8[%get3A_242, %get3A_243, %get3A_244] {strides = array<i32>} : memref<2x1x256xi32, #tpu.memory_space<vmem>>, vector<16xi32>,
      tpu.vector_store_idx %arg10[%get3A_245], %broadcast_in_dim3A_31 {add = true} : memref<10112xf32, #tpu.memory_space<vmem>>[vector<16xi32>], vector<16xf32>,
      %get3A_246 = arith.constant 0 : i32
      %get3A_247 = arith.index_cast %rem3A_140 : i32 to index
      %get3A_248 = arith.index_cast %get3A_246 : i32 to index
      %get3A_249 = arith.constant 16 : index
      %get3A_250 = tpu.vector_load %arg8[%get3A_247, %get3A_248, %get3A_249] {strides = array<i32>} : memref<2x1x256xi32, #tpu.memory_space<vmem>>, vector<16xi32>,
      tpu.vector_store_idx %arg10[%get3A_250], %broadcast_in_dim3A_31 {add = true} : memref<10112xf32, #tpu.memory_space<vmem>>[vector<16xi32>], vector<16xf32>,
      %get3A_251 = arith.constant 0 : i32
      %get3A_252 = arith.index_cast %rem3A_140 : i32 to index
      %get3A_253 = arith.index_cast %get3A_251 : i32 to index
      %get3A_254 = arith.constant 32 : index
      %get3A_255 = tpu.vector_load %arg8[%get3A_252, %get3A_253, %get3A_254] {strides = array<i32>} : memref<2x1x256xi32, #tpu.memory_space<vmem>>, vector<16xi32>,
      tpu.vector_store_idx %arg10[%get3A_255], %broadcast_in_dim3A_31 {add = true} : memref<10112xf32, #tpu.memory_space<vmem>>[vector<16xi32>], vector<16xf32>,
      %get3A_256 = arith.constant 0 : i32
      %get3A_257 = arith.index_cast %rem3A_140 : i32 to index
      %get3A_258 = arith.index_cast %get3A_256 : i32 to index
      %get3A_259 = arith.constant 48 : index
      %get3A_260 = tpu.vector_load %arg8[%get3A_257, %get3A_258, %get3A_259] {strides = array<i32>} : memref<2x1x256xi32, #tpu.memory_space<vmem>>, vector<16xi32>,
      tpu.vector_store_idx %arg10[%get3A_260], %broadcast_in_dim3A_31 {add = true} : memref<10112xf32, #tpu.memory_space<vmem>>[vector<16xi32>], vector<16xf32>,
      %get3A_261 = arith.constant 0 : i32
      %get3A_262 = arith.index_cast %rem3A_140 : i32 to index
      %get3A_263 = arith.index_cast %get3A_261 : i32 to index
      %get3A_264 = arith.constant 64 : index
      %get3A_265 = tpu.vector_load %arg8[%get3A_262, %get3A_263, %get3A_264] {strides = array<i32>} : memref<2x1x256xi32, #tpu.memory_space<vmem>>, vector<16xi32>,
      tpu.vector_store_idx %arg10[%get3A_265], %broadcast_in_dim3A_31 {add = true} : memref<10112xf32, #tpu.memory_space<vmem>>[vector<16xi32>], vector<16xf32>,
      %get3A_266 = arith.constant 0 : i32
      %get3A_267 = arith.index_cast %rem3A_140 : i32 to index
      %get3A_268 = arith.index_cast %get3A_266 : i32 to index
      %get3A_269 = arith.constant 80 : index
      %get3A_270 = tpu.vector_load %arg8[%get3A_267, %get3A_268, %get3A_269] {strides = array<i32>} : memref<2x1x256xi32, #tpu.memory_space<vmem>>, vector<16xi32>,
      tpu.vector_store_idx %arg10[%get3A_270], %broadcast_in_dim3A_31 {add = true} : memref<10112xf32, #tpu.memory_space<vmem>>[vector<16xi32>], vector<16xf32>,
      %get3A_271 = arith.constant 0 : i32
      %get3A_272 = arith.index_cast %rem3A_140 : i32 to index
      %get3A_273 = arith.index_cast %get3A_271 : i32 to index
      %get3A_274 = arith.constant 96 : index
      %get3A_275 = tpu.vector_load %arg8[%get3A_272, %get3A_273, %get3A_274] {strides = array<i32>} : memref<2x1x256xi32, #tpu.memory_space<vmem>>, vector<16xi32>,
      tpu.vector_store_idx %arg10[%get3A_275], %broadcast_in_dim3A_31 {add = true} : memref<10112xf32, #tpu.memory_space<vmem>>[vector<16xi32>], vector<16xf32>,
      %get3A_276 = arith.constant 0 : i32
      %get3A_277 = arith.index_cast %rem3A_140 : i32 to index
      %get3A_278 = arith.index_cast %get3A_276 : i32 to index
      %get3A_279 = arith.constant 112 : index
      %get3A_280 = tpu.vector_load %arg8[%get3A_277, %get3A_278, %get3A_279] {strides = array<i32>} : memref<2x1x256xi32, #tpu.memory_space<vmem>>, vector<16xi32>,
      tpu.vector_store_idx %arg10[%get3A_280], %broadcast_in_dim3A_31 {add = true} : memref<10112xf32, #tpu.memory_space<vmem>>[vector<16xi32>], vector<16xf32>,
      %get3A_281 = arith.constant 0 : i32
      %get3A_282 = arith.index_cast %rem3A_140 : i32 to index
      %get3A_283 = arith.index_cast %get3A_281 : i32 to index
      %get3A_284 = arith.constant 128 : index
      %get3A_285 = tpu.vector_load %arg8[%get3A_282, %get3A_283, %get3A_284] {strides = array<i32>} : memref<2x1x256xi32, #tpu.memory_space<vmem>>, vector<16xi32>,
      tpu.vector_store_idx %arg10[%get3A_285], %broadcast_in_dim3A_31 {add = true} : memref<10112xf32, #tpu.memory_space<vmem>>[vector<16xi32>], vector<16xf32>,
      %get3A_286 = arith.constant 0 : i32
      %get3A_287 = arith.index_cast %rem3A_140 : i32 to index
      %get3A_288 = arith.index_cast %get3A_286 : i32 to index
      %get3A_289 = arith.constant 144 : index
      %get3A_290 = tpu.vector_load %arg8[%get3A_287, %get3A_288, %get3A_289] {strides = array<i32>} : memref<2x1x256xi32, #tpu.memory_space<vmem>>, vector<16xi32>,
      tpu.vector_store_idx %arg10[%get3A_290], %broadcast_in_dim3A_31 {add = true} : memref<10112xf32, #tpu.memory_space<vmem>>[vector<16xi32>], vector<16xf32>,
      %get3A_291 = arith.constant 0 : i32
      %get3A_292 = arith.index_cast %rem3A_140 : i32 to index
      %get3A_293 = arith.index_cast %get3A_291 : i32 to index
      %get3A_294 = arith.constant 160 : index
      %get3A_295 = tpu.vector_load %arg8[%get3A_292, %get3A_293, %get3A_294] {strides = array<i32>} : memref<2x1x256xi32, #tpu.memory_space<vmem>>, vector<16xi32>,
      tpu.vector_store_idx %arg10[%get3A_295], %broadcast_in_dim3A_31 {add = true} : memref<10112xf32, #tpu.memory_space<vmem>>[vector<16xi32>], vector<16xf32>,
      %get3A_296 = arith.constant 0 : i32
      %get3A_297 = arith.index_cast %rem3A_140 : i32 to index
      %get3A_298 = arith.index_cast %get3A_296 : i32 to index
      %get3A_299 = arith.constant 176 : index
      %get3A_300 = tpu.vector_load %arg8[%get3A_297, %get3A_298, %get3A_299] {strides = array<i32>} : memref<2x1x256xi32, #tpu.memory_space<vmem>>, vector<16xi32>,
      tpu.vector_store_idx %arg10[%get3A_300], %broadcast_in_dim3A_31 {add = true} : memref<10112xf32, #tpu.memory_space<vmem>>[vector<16xi32>], vector<16xf32>,
      %get3A_301 = arith.constant 0 : i32
      %get3A_302 = arith.index_cast %rem3A_140 : i32 to index
      %get3A_303 = arith.index_cast %get3A_301 : i32 to index
      %get3A_304 = arith.constant 192 : index
      %get3A_305 = tpu.vector_load %arg8[%get3A_302, %get3A_303, %get3A_304] {strides = array<i32>} : memref<2x1x256xi32, #tpu.memory_space<vmem>>, vector<16xi32>,
      tpu.vector_store_idx %arg10[%get3A_305], %broadcast_in_dim3A_31 {add = true} : memref<10112xf32, #tpu.memory_space<vmem>>[vector<16xi32>], vector<16xf32>,
      %get3A_306 = arith.constant 0 : i32
      %get3A_307 = arith.index_cast %rem3A_140 : i32 to index
      %get3A_308 = arith.index_cast %get3A_306 : i32 to index
      %get3A_309 = arith.constant 208 : index
      %get3A_310 = tpu.vector_load %arg8[%get3A_307, %get3A_308, %get3A_309] {strides = array<i32>} : memref<2x1x256xi32, #tpu.memory_space<vmem>>, vector<16xi32>,
      tpu.vector_store_idx %arg10[%get3A_310], %broadcast_in_dim3A_31 {add = true} : memref<10112xf32, #tpu.memory_space<vmem>>[vector<16xi32>], vector<16xf32>,
      %get3A_311 = arith.constant 0 : i32
      %get3A_312 = arith.index_cast %rem3A_140 : i32 to index
      %get3A_313 = arith.index_cast %get3A_311 : i32 to index
      %get3A_314 = arith.constant 224 : index
      %get3A_315 = tpu.vector_load %arg8[%get3A_312, %get3A_313, %get3A_314] {strides = array<i32>} : memref<2x1x256xi32, #tpu.memory_space<vmem>>, vector<16xi32>,
      tpu.vector_store_idx %arg10[%get3A_315], %broadcast_in_dim3A_31 {add = true} : memref<10112xf32, #tpu.memory_space<vmem>>[vector<16xi32>], vector<16xf32>,
      %get3A_316 = arith.constant 0 : i32
      %get3A_317 = arith.index_cast %rem3A_140 : i32 to index
      %get3A_318 = arith.index_cast %get3A_316 : i32 to index
      %get3A_319 = arith.constant 240 : index
      %get3A_320 = tpu.vector_load %arg8[%get3A_317, %get3A_318, %get3A_319] {strides = array<i32>} : memref<2x1x256xi32, #tpu.memory_space<vmem>>, vector<16xi32>,
      tpu.vector_store_idx %arg10[%get3A_320], %broadcast_in_dim3A_31 {add = true} : memref<10112xf32, #tpu.memory_space<vmem>>[vector<16xi32>], vector<16xf32>,
      %dma_wait3A_321 = arith.constant 0 : i32
      %dma_wait3A_322 = arith.constant 0 : i32
      %dma_wait3A_323 = tpu.memref_slice %arg7[%rem3A_140, %dma_wait3A_321, %dma_wait3A_322] : memref<2x1x256xi32, #tpu.memory_space<vmem>> -> memref<1x1x256xi32, #tpu.memory_space<vmem>>
      %dma_wait3A_324 = tpu.memref_squeeze %dma_wait3A_323 : memref<1x1x256xi32, #tpu.memory_space<vmem>> -> memref<256xi32, #tpu.memory_space<vmem>>
      %dma_wait3A_325 = arith.constant 0 : i32
      %dma_wait3A_326 = arith.constant 0 : i32
      %dma_wait3A_327 = tpu.memref_slice %arg2[%dma_wait3A_325, %dma_wait3A_326] : memref<10000x128xf32, #tpu.memory_space<hbm>> -> memref<10000x128xf32, #tpu.memory_space<hbm>>
      tpu.wait_indirect_dma semaphore(%arg12 : memref<!tpu.dma_semaphore, #tpu.memory_space<semaphore_mem>>) src(%dma_wait3A_327 : memref<10000x128xf32, #tpu.memory_space<hbm>>) dst(%arg9 : memref<256x128xf32, #tpu.memory_space<vmem>>)
      %run_scoped3A = arith.constant 0 : i32
      "tpu.region"() ({
        %run_scoped3A_329 = tpu.sem_alloc : memref<!tpu.dma_semaphore, #tpu.memory_space<semaphore_mem>>
        %dma_start3A_330 = arith.constant 0 : i32
        %dma_start3A_331 = tpu.memref_slice %arg8[%rem3A_140, %run_scoped3A, %dma_start3A_330] : memref<2x1x256xi32, #tpu.memory_space<vmem>> -> memref<1x1x256xi32, #tpu.memory_space<vmem>>
        %dma_start3A_332 = tpu.memref_squeeze %dma_start3A_331 : memref<1x1x256xi32, #tpu.memory_space<vmem>> -> memref<256xi32, #tpu.memory_space<vmem>>
        %dma_start3A_333 = arith.constant 0 : i32
        %dma_start3A_334 = arith.constant 0 : i32
        %dma_start3A_335 = tpu.memref_slice %arg11[%dma_start3A_333, %dma_start3A_334] : memref<10112x128xf32, #tpu.memory_space<vmem_shared>> -> memref<10112x128xf32, #tpu.memory_space<vmem_shared>>
        tpu.enqueue_indirect_dma source(%arg9 : memref<256x128xf32, #tpu.memory_space<vmem>>) target(%dma_start3A_335 : memref<10112x128xf32, #tpu.memory_space<vmem_shared>>) offsets(%dma_start3A_332 : memref<256xi32, #tpu.memory_space<vmem>>) semaphore(%run_scoped3A_329 : memref<!tpu.dma_semaphore, #tpu.memory_space<semaphore_mem>>) {add = true}
        %dma_wait3A_336 = arith.constant 0 : i32
        %dma_wait3A_337 = tpu.memref_slice %arg8[%rem3A_140, %run_scoped3A, %dma_wait3A_336] : memref<2x1x256xi32, #tpu.memory_space<vmem>> -> memref<1x1x256xi32, #tpu.memory_space<vmem>>
        %dma_wait3A_338 = tpu.memref_squeeze %dma_wait3A_337 : memref<1x1x256xi32, #tpu.memory_space<vmem>> -> memref<256xi32, #tpu.memory_space<vmem>>
        %dma_wait3A_339 = arith.constant 0 : i32
        %dma_wait3A_340 = arith.constant 0 : i32
        %dma_wait3A_341 = tpu.memref_slice %arg11[%dma_wait3A_339, %dma_wait3A_340] : memref<10112x128xf32, #tpu.memory_space<vmem_shared>> -> memref<10112x128xf32, #tpu.memory_space<vmem_shared>>
        tpu.wait_indirect_dma semaphore(%run_scoped3A_329 : memref<!tpu.dma_semaphore, #tpu.memory_space<semaphore_mem>>) src(%arg9 : memref<256x128xf32, #tpu.memory_space<vmem>>) dst(%dma_wait3A_341 : memref<10112x128xf32, #tpu.memory_space<vmem_shared>>)
        tpu.yield
      }) : () -> ()
      %while3A_328 = arith.constant 0 : i32
      scf.yield %while3A_328 : i32
    }
    %rem3A = arith.constant 2 : i32
    %rem3A_86 = arith.remsi %select_n3A_20, %rem3A : i32
    %dma_wait3A = arith.constant 0 : i32
    %dma_wait3A_87 = arith.constant 0 : i32
    %dma_wait3A_88 = arith.constant 0 : i32
    %dma_wait3A_89 = tpu.memref_slice %arg7[%rem3A_86, %dma_wait3A_87, %dma_wait3A_88] : memref<2x1x256xi32, #tpu.memory_space<vmem>> -> memref<1x1x256xi32, #tpu.memory_space<vmem>>
    %dma_wait3A_90 = tpu.memref_squeeze %dma_wait3A_89 : memref<1x1x256xi32, #tpu.memory_space<vmem>> -> memref<1x256xi32, #tpu.memory_space<vmem>>
    %dma_wait3A_91 = arith.constant 0 : i32
    %dma_wait3A_92 = arith.constant 0 : i32
    %dma_wait3A_93 = tpu.memref_slice %arg3[%dma_wait3A, %dma_wait3A_91, %dma_wait3A_92] : memref<2x1250x256xi32, #tpu.memory_space<hbm>> -> memref<1x1250x256xi32, #tpu.memory_space<hbm>>
    %dma_wait3A_94 = tpu.memref_squeeze %dma_wait3A_93 : memref<1x1250x256xi32, #tpu.memory_space<hbm>> -> memref<1250x256xi32, #tpu.memory_space<hbm>>
    %dma_wait3A_95 = arith.constant 1249 : i32
    %dma_wait3A_96 = arith.constant 0 : i32
    %dma_wait3A_97 = tpu.memref_slice %dma_wait3A_94[%dma_wait3A_95, %dma_wait3A_96] : memref<1250x256xi32, #tpu.memory_space<hbm>> -> memref<1x256xi32, #tpu.memory_space<hbm>>
    %dma_wait3A_98 = arith.constant 0 : i32
    %dma_wait3A_99 = arith.constant 0 : i32
    %dma_wait3A_100 = tpu.memref_slice %arg7[%rem3A_86, %dma_wait3A_98, %dma_wait3A_99] : memref<2x1x256xi32, #tpu.memory_space<vmem>> -> memref<1x1x256xi32, #tpu.memory_space<vmem>>
    %dma_wait3A_101 = tpu.memref_squeeze %dma_wait3A_100 : memref<1x1x256xi32, #tpu.memory_space<vmem>> -> memref<1x256xi32, #tpu.memory_space<vmem>>
    %dma_wait3A_102 = arith.constant 0 : i32
    %dma_wait3A_103 = arith.constant 0 : i32
    %dma_wait3A_104 = tpu.memref_slice %arg3[%dma_wait3A, %dma_wait3A_102, %dma_wait3A_103] : memref<2x1250x256xi32, #tpu.memory_space<hbm>> -> memref<1x1250x256xi32, #tpu.memory_space<hbm>>
    %dma_wait3A_105 = tpu.memref_squeeze %dma_wait3A_104 : memref<1x1250x256xi32, #tpu.memory_space<hbm>> -> memref<1250x256xi32, #tpu.memory_space<hbm>>
    %dma_wait3A_106 = arith.constant 1249 : i32
    %dma_wait3A_107 = arith.constant 0 : i32
    %dma_wait3A_108 = tpu.memref_slice %dma_wait3A_105[%dma_wait3A_106, %dma_wait3A_107] : memref<1250x256xi32, #tpu.memory_space<hbm>> -> memref<1x256xi32, #tpu.memory_space<hbm>>
    tpu.wait_dma2 semaphore(%arg14 : memref<!tpu.dma_semaphore, #tpu.memory_space<semaphore_mem>>) src(%dma_wait3A_108 : memref<1x256xi32, #tpu.memory_space<hbm>>) dst(%dma_wait3A_101 : memref<1x256xi32, #tpu.memory_space<vmem>>)
    %dma_wait3A_109 = arith.constant 1 : i32
    %dma_wait3A_110 = arith.constant 0 : i32
    %dma_wait3A_111 = arith.constant 0 : i32
    %dma_wait3A_112 = tpu.memref_slice %arg8[%rem3A_86, %dma_wait3A_110, %dma_wait3A_111] : memref<2x1x256xi32, #tpu.memory_space<vmem>> -> memref<1x1x256xi32, #tpu.memory_space<vmem>>
    %dma_wait3A_113 = tpu.memref_squeeze %dma_wait3A_112 : memref<1x1x256xi32, #tpu.memory_space<vmem>> -> memref<1x256xi32, #tpu.memory_space<vmem>>
    %dma_wait3A_114 = arith.constant 0 : i32
    %dma_wait3A_115 = arith.constant 0 : i32
    %dma_wait3A_116 = tpu.memref_slice %arg3[%dma_wait3A_109, %dma_wait3A_114, %dma_wait3A_115] : memref<2x1250x256xi32, #tpu.memory_space<hbm>> -> memref<1x1250x256xi32, #tpu.memory_space<hbm>>
    %dma_wait3A_117 = tpu.memref_squeeze %dma_wait3A_116 : memref<1x1250x256xi32, #tpu.memory_space<hbm>> -> memref<1250x256xi32, #tpu.memory_space<hbm>>
    %dma_wait3A_118 = arith.constant 1249 : i32
    %dma_wait3A_119 = arith.constant 0 : i32
    %dma_wait3A_120 = tpu.memref_slice %dma_wait3A_117[%dma_wait3A_118, %dma_wait3A_119] : memref<1250x256xi32, #tpu.memory_space<hbm>> -> memref<1x256xi32, #tpu.memory_space<hbm>>
    %dma_wait3A_121 = arith.constant 0 : i32
    %dma_wait3A_122 = arith.constant 0 : i32
    %dma_wait3A_123 = tpu.memref_slice %arg8[%rem3A_86, %dma_wait3A_121, %dma_wait3A_122] : memref<2x1x256xi32, #tpu.memory_space<vmem>> -> memref<1x1x256xi32, #tpu.memory_space<vmem>>
    %dma_wait3A_124 = tpu.memref_squeeze %dma_wait3A_123 : memref<1x1x256xi32, #tpu.memory_space<vmem>> -> memref<1x256xi32, #tpu.memory_space<vmem>>
    %dma_wait3A_125 = arith.constant 0 : i32
    %dma_wait3A_126 = arith.constant 0 : i32
    %dma_wait3A_127 = tpu.memref_slice %arg3[%dma_wait3A_109, %dma_wait3A_125, %dma_wait3A_126] : memref<2x1250x256xi32, #tpu.memory_space<hbm>> -> memref<1x1250x256xi32, #tpu.memory_space<hbm>>
    %dma_wait3A_128 = tpu.memref_squeeze %dma_wait3A_127 : memref<1x1250x256xi32, #tpu.memory_space<hbm>> -> memref<1250x256xi32, #tpu.memory_space<hbm>>
    %dma_wait3A_129 = arith.constant 1249 : i32
    %dma_wait3A_130 = arith.constant 0 : i32
    %dma_wait3A_131 = tpu.memref_slice %dma_wait3A_128[%dma_wait3A_129, %dma_wait3A_130] : memref<1250x256xi32, #tpu.memory_space<hbm>> -> memref<1x256xi32, #tpu.memory_space<hbm>>
    tpu.wait_dma2 semaphore(%arg15 : memref<!tpu.dma_semaphore, #tpu.memory_space<semaphore_mem>>) src(%dma_wait3A_131 : memref<1x256xi32, #tpu.memory_space<hbm>>) dst(%dma_wait3A_124 : memref<1x256xi32, #tpu.memory_space<vmem>>)
    %barrier3A_132 = arith.constant 0 : index
    tpu.barrier barrier_id(%barrier3A_132)
    %mul3A_133 = arith.constant 632 : i32
    %mul3A_134 = arith.muli %arg1, %mul3A_133 : i32
    %mul3A_135 = arith.constant 632 : i32
    %mul3A_136 = arith.muli %arg1, %mul3A_135 : i32
    "tpu.region"() ({
      %run_scoped3A = tpu.sem_alloc : memref<!tpu.dma_semaphore, #tpu.memory_space<semaphore_mem>>
      %dma_start3A_137 = arith.constant 0 : i32
      %dma_start3A_138 = arith.constant 0 : i32
      %dma_start3A_139 = tpu.memref_slice %arg5[%arg0, %dma_start3A_137, %dma_start3A_138] : memref<2x10112x128xf32, #tpu.memory_space<hbm>> -> memref<1x10112x128xf32, #tpu.memory_space<hbm>>
      %dma_start3A_140 = tpu.memref_squeeze %dma_start3A_139 : memref<1x10112x128xf32, #tpu.memory_space<hbm>> -> memref<10112x128xf32, #tpu.memory_space<hbm>>
      %dma_start3A_141 = arith.constant 0 : i32
      %dma_start3A_142 = tpu.memref_slice %dma_start3A_140[%mul3A_136, %dma_start3A_141] : memref<10112x128xf32, #tpu.memory_space<hbm>> -> memref<632x128xf32, #tpu.memory_space<hbm>>
      %dma_start3A_143 = arith.constant 0 : i32
      %dma_start3A_144 = tpu.memref_slice %arg11[%mul3A_134, %dma_start3A_143] : memref<10112x128xf32, #tpu.memory_space<vmem_shared>> -> memref<632x128xf32, #tpu.memory_space<vmem_shared>>
      tpu.enqueue_dma source(%dma_start3A_144 : memref<632x128xf32, #tpu.memory_space<vmem_shared>>) target(%dma_start3A_142 : memref<632x128xf32, #tpu.memory_space<hbm>>) target_semaphore(%run_scoped3A : memref<!tpu.dma_semaphore, #tpu.memory_space<semaphore_mem>>)
      %dma_wait3A_145 = arith.constant 0 : i32
      %dma_wait3A_146 = arith.constant 0 : i32
      %dma_wait3A_147 = tpu.memref_slice %arg5[%arg0, %dma_wait3A_145, %dma_wait3A_146] : memref<2x10112x128xf32, #tpu.memory_space<hbm>> -> memref<1x10112x128xf32, #tpu.memory_space<hbm>>
      %dma_wait3A_148 = tpu.memref_squeeze %dma_wait3A_147 : memref<1x10112x128xf32, #tpu.memory_space<hbm>> -> memref<10112x128xf32, #tpu.memory_space<hbm>>
      %dma_wait3A_149 = arith.constant 0 : i32
      %dma_wait3A_150 = tpu.memref_slice %dma_wait3A_148[%mul3A_136, %dma_wait3A_149] : memref<10112x128xf32, #tpu.memory_space<hbm>> -> memref<632x128xf32, #tpu.memory_space<hbm>>
      %dma_wait3A_151 = arith.constant 0 : i32
      %dma_wait3A_152 = tpu.memref_slice %arg11[%mul3A_134, %dma_wait3A_151] : memref<10112x128xf32, #tpu.memory_space<vmem_shared>> -> memref<632x128xf32, #tpu.memory_space<vmem_shared>>
      tpu.wait_dma2 semaphore(%run_scoped3A : memref<!tpu.dma_semaphore, #tpu.memory_space<semaphore_mem>>) src(%dma_wait3A_152 : memref<632x128xf32, #tpu.memory_space<vmem_shared>>) dst(%dma_wait3A_150 : memref<632x128xf32, #tpu.memory_space<hbm>>)
      tpu.yield
    }) : () -> ()
    "tpu.region"() ({
      %run_scoped3A = tpu.sem_alloc : memref<!tpu.dma_semaphore, #tpu.memory_space<semaphore_mem>>
      %dma_start3A_137 = arith.constant 0 : i32
      %dma_start3A_138 = arith.constant 0 : i32
      %dma_start3A_139 = tpu.memref_slice %arg6[%arg0, %dma_start3A_137, %dma_start3A_138] : memref<2x16x10112xf32, #tpu.memory_space<hbm>> -> memref<1x16x10112xf32, #tpu.memory_space<hbm>>
      %dma_start3A_140 = tpu.memref_squeeze %dma_start3A_139 : memref<1x16x10112xf32, #tpu.memory_space<hbm>> -> memref<16x10112xf32, #tpu.memory_space<hbm>>
      %dma_start3A_141 = arith.constant 0 : i32
      %dma_start3A_142 = tpu.memref_slice %dma_start3A_140[%arg1, %dma_start3A_141] : memref<16x10112xf32, #tpu.memory_space<hbm>> -> memref<1x10112xf32, #tpu.memory_space<hbm>>
      %dma_start3A_143 = tpu.memref_squeeze %dma_start3A_142 : memref<1x10112xf32, #tpu.memory_space<hbm>> -> memref<10112xf32, #tpu.memory_space<hbm>>
      %dma_start3A_144 = arith.constant 0 : i32
      %dma_start3A_145 = arith.constant 0 : i32
      %dma_start3A_146 = tpu.memref_slice %arg6[%arg0, %dma_start3A_144, %dma_start3A_145] : memref<2x16x10112xf32, #tpu.memory_space<hbm>> -> memref<1x16x10112xf32, #tpu.memory_space<hbm>>
      %dma_start3A_147 = tpu.memref_squeeze %dma_start3A_146 : memref<1x16x10112xf32, #tpu.memory_space<hbm>> -> memref<16x10112xf32, #tpu.memory_space<hbm>>
      %dma_start3A_148 = arith.constant 0 : i32
      %dma_start3A_149 = tpu.memref_slice %dma_start3A_147[%arg1, %dma_start3A_148] : memref<16x10112xf32, #tpu.memory_space<hbm>> -> memref<1x10112xf32, #tpu.memory_space<hbm>>
      %dma_start3A_150 = tpu.memref_squeeze %dma_start3A_149 : memref<1x10112xf32, #tpu.memory_space<hbm>> -> memref<10112xf32, #tpu.memory_space<hbm>>
      tpu.enqueue_dma source(%arg10 : memref<10112xf32, #tpu.memory_space<vmem>>) target(%dma_start3A_150 : memref<10112xf32, #tpu.memory_space<hbm>>) target_semaphore(%run_scoped3A : memref<!tpu.dma_semaphore, #tpu.memory_space<semaphore_mem>>)
      %dma_wait3A_151 = arith.constant 0 : i32
      %dma_wait3A_152 = arith.constant 0 : i32
      %dma_wait3A_153 = tpu.memref_slice %arg6[%arg0, %dma_wait3A_151, %dma_wait3A_152] : memref<2x16x10112xf32, #tpu.memory_space<hbm>> -> memref<1x16x10112xf32, #tpu.memory_space<hbm>>
      %dma_wait3A_154 = tpu.memref_squeeze %dma_wait3A_153 : memref<1x16x10112xf32, #tpu.memory_space<hbm>> -> memref<16x10112xf32, #tpu.memory_space<hbm>>
      %dma_wait3A_155 = arith.constant 0 : i32
      %dma_wait3A_156 = tpu.memref_slice %dma_wait3A_154[%arg1, %dma_wait3A_155] : memref<16x10112xf32, #tpu.memory_space<hbm>> -> memref<1x10112xf32, #tpu.memory_space<hbm>>
      %dma_wait3A_157 = tpu.memref_squeeze %dma_wait3A_156 : memref<1x10112xf32, #tpu.memory_space<hbm>> -> memref<10112xf32, #tpu.memory_space<hbm>>
      %dma_wait3A_158 = arith.constant 0 : i32
      %dma_wait3A_159 = arith.constant 0 : i32
      %dma_wait3A_160 = tpu.memref_slice %arg6[%arg0, %dma_wait3A_158, %dma_wait3A_159] : memref<2x16x10112xf32, #tpu.memory_space<hbm>> -> memref<1x16x10112xf32, #tpu.memory_space<hbm>>
      %dma_wait3A_161 = tpu.memref_squeeze %dma_wait3A_160 : memref<1x16x10112xf32, #tpu.memory_space<hbm>> -> memref<16x10112xf32, #tpu.memory_space<hbm>>
      %dma_wait3A_162 = arith.constant 0 : i32
      %dma_wait3A_163 = tpu.memref_slice %dma_wait3A_161[%arg1, %dma_wait3A_162] : memref<16x10112xf32, #tpu.memory_space<hbm>> -> memref<1x10112xf32, #tpu.memory_space<hbm>>
      %dma_wait3A_164 = tpu.memref_squeeze %dma_wait3A_163 : memref<1x10112xf32, #tpu.memory_space<hbm>> -> memref<10112xf32, #tpu.memory_space<hbm>>
      tpu.wait_dma2 semaphore(%run_scoped3A : memref<!tpu.dma_semaphore, #tpu.memory_space<semaphore_mem>>) src(%arg10 : memref<10112xf32, #tpu.memory_space<vmem>>) dst(%dma_wait3A_164 : memref<10112xf32, #tpu.memory_space<hbm>>)
      tpu.yield
    }) : () -> ()
    return
  }
}

module attributes {stable_mosaic.version = 14 : i64} {
  func.func @_tc_body(%arg0: i32, %arg1: memref<2000x128xf32, #tpu.memory_space<vmem>>, %arg2: memref<2x2000x128xf32, #tpu.memory_space<vmem>>, %arg3: memref<2000x1xf32, #tpu.memory_space<vmem>>, %arg4: memref<128x128xf32, #tpu.memory_space<vmem>>, %arg5: memref<128x128xf32, #tpu.memory_space<vmem>>, %arg6: memref<1x128xf32, #tpu.memory_space<vmem>>, %arg7: memref<2000x128xf32, #tpu.memory_space<vmem>>) attributes {dimension_semantics = [#tpu.dimension_semantics<arbitrary>], iteration_bounds = array<i64: 5>, scalar_prefetch = 0 : i64, scratch_operands = 0 : i64, tpu.core_type = #tpu.core_type<tc>, window_params = [{transform_indices = @transform_0, window_bounds = array<i64: 2000, 128>}, {transform_indices = @transform_1, window_bounds = array<i64: 2, 2000, 128>}, {transform_indices = @transform_2, window_bounds = array<i64: 2000, 1>}, {pipeline_mode = #tpu.pipeline_mode<synchronous>, transform_indices = @transform_3, window_bounds = array<i64: 128, 128>}, {pipeline_mode = #tpu.pipeline_mode<synchronous>, transform_indices = @transform_4, window_bounds = array<i64: 128, 128>}, {pipeline_mode = #tpu.pipeline_mode<synchronous>, transform_indices = @transform_5, window_bounds = array<i64: 1, 128>}, {transform_indices = @transform_6, window_bounds = array<i64: 2000, 128>}]} {
    %get3A = arith.constant 0 : index
    %get3A_0 = arith.constant 0 : index
    %get3A_1 = arith.constant 0 : index
    %get3A_2 = vector.load %arg2[%get3A, %get3A_0, %get3A_1] : memref<2x2000x128xf32, #tpu.memory_space<vmem>>, vector<1x2000x128xf32>
    %get3A_3 = vector.shape_cast %get3A_2 : vector<1x2000x128xf32> to vector<2000x128xf32>
    %get3A_4 = arith.constant 1 : index
    %get3A_5 = arith.constant 0 : index
    %get3A_6 = arith.constant 0 : index
    %get3A_7 = vector.load %arg2[%get3A_4, %get3A_5, %get3A_6] : memref<2x2000x128xf32, #tpu.memory_space<vmem>>, vector<1x2000x128xf32>
    %get3A_8 = vector.shape_cast %get3A_7 : vector<1x2000x128xf32> to vector<2000x128xf32>
    %add3A = arith.addf %get3A_3, %get3A_8 : vector<2000x128xf32>
    %get3A_9 = arith.constant 0 : index
    %get3A_10 = arith.constant 0 : index
    %get3A_11 = vector.load %arg3[%get3A_9, %get3A_10] : memref<2000x1xf32, #tpu.memory_space<vmem>>, vector<2000x1xf32>
    %max3A = arith.constant 1.000000e+00 : f32
    %max3A_12 = vector.broadcast %max3A : f32 to vector<2000x1xf32>
    %max3A_13 = arith.maximumf %get3A_11, %max3A_12 : vector<2000x1xf32>
    %div3A = vector.broadcast %max3A_13 : vector<2000x1xf32> to vector<2000x128xf32>
    %div3A_14 = arith.divf %add3A, %div3A : vector<2000x128xf32>
    %get3A_15 = arith.constant 0 : index
    %get3A_16 = arith.constant 0 : index
    %get3A_17 = vector.load %arg5[%get3A_15, %get3A_16] : memref<128x128xf32, #tpu.memory_space<vmem>>, vector<128x128xf32>
    %dot_general3A = arith.constant dense<0.000000e+00> : vector<2000x128xf32>
    %dot_general3A_18 = tpu.matmul %div3A_14, %get3A_17, %dot_general3A {dimension_numbers = #tpu.dot_dimension_numbers<[1], [0], [0], [1], [0, 0, 1, 1], [], []>, transpose_lhs_hint = false} : vector<2000x128xf32>, vector<128x128xf32>, vector<2000x128xf32> -> vector<2000x128xf32>
    %get3A_19 = arith.constant 0 : index
    %get3A_20 = arith.constant 0 : index
    %get3A_21 = vector.load %arg1[%get3A_19, %get3A_20] : memref<2000x128xf32, #tpu.memory_space<vmem>>, vector<2000x128xf32>
    %get3A_22 = arith.constant 0 : index
    %get3A_23 = arith.constant 0 : index
    %get3A_24 = vector.load %arg4[%get3A_22, %get3A_23] : memref<128x128xf32, #tpu.memory_space<vmem>>, vector<128x128xf32>
    %dot_general3A_25 = arith.constant dense<0.000000e+00> : vector<2000x128xf32>
    %dot_general3A_26 = tpu.matmul %get3A_21, %get3A_24, %dot_general3A_25 {dimension_numbers = #tpu.dot_dimension_numbers<[1], [0], [0], [1], [0, 0, 1, 1], [], []>, transpose_lhs_hint = false} : vector<2000x128xf32>, vector<128x128xf32>, vector<2000x128xf32> -> vector<2000x128xf32>
    %add3A_27 = arith.addf %dot_general3A_26, %dot_general3A_18 : vector<2000x128xf32>
    %get3A_28 = arith.constant 0 : index
    %get3A_29 = arith.constant 0 : index
    %get3A_30 = vector.load %arg6[%get3A_28, %get3A_29] : memref<1x128xf32, #tpu.memory_space<vmem>>, vector<1x128xf32>
    %add3A_31 = vector.broadcast %get3A_30 : vector<1x128xf32> to vector<2000x128xf32>
    %add3A_32 = arith.addf %add3A_27, %add3A_31 : vector<2000x128xf32>
    %max3A_33 = arith.constant 0.000000e+00 : f32
    %max3A_34 = vector.broadcast %max3A_33 : f32 to vector<2000x128xf32>
    %max3A_35 = arith.maximumf %add3A_32, %max3A_34 : vector<2000x128xf32>
    %swap3A = arith.constant 0 : index
    %swap3A_36 = arith.constant 0 : index
    %swap3A_37 = vector.load %arg7[%swap3A, %swap3A_36] : memref<2000x128xf32, #tpu.memory_space<vmem>>, vector<2000x128xf32>
    tpu.vector_store %arg7[%swap3A, %swap3A_36], %max3A_35 {strides = array<i32>} : memref<2000x128xf32, #tpu.memory_space<vmem>>, vector<2000x128xf32>,
    return
  }
  func.func @transform_0(%arg0: i32) -> (i32, i32) {
    %c0_i32 = arith.constant 0 : i32
    %c0_i32_0 = arith.constant 0 : i32
    return %arg0, %c0_i32 : i32, i32
  }
  func.func @transform_1(%arg0: i32) -> (i32, i32, i32) {
    %c0_i32 = arith.constant 0 : i32
    %c0_i32_0 = arith.constant 0 : i32
    %c0_i32_1 = arith.constant 0 : i32
    return %c0_i32, %arg0, %c0_i32_0 : i32, i32, i32
  }
  func.func @transform_2(%arg0: i32) -> (i32, i32) {
    %c0_i32 = arith.constant 0 : i32
    %c0_i32_0 = arith.constant 0 : i32
    return %arg0, %c0_i32 : i32, i32
  }
  func.func @transform_3(%arg0: i32) -> (i32, i32) {
    %c0_i32 = arith.constant 0 : i32
    %c0_i32_0 = arith.constant 0 : i32
    %c0_i32_1 = arith.constant 0 : i32
    return %c0_i32, %c0_i32_0 : i32, i32
  }
  func.func @transform_4(%arg0: i32) -> (i32, i32) {
    %c0_i32 = arith.constant 0 : i32
    %c0_i32_0 = arith.constant 0 : i32
    %c0_i32_1 = arith.constant 0 : i32
    return %c0_i32, %c0_i32_0 : i32, i32
  }
  func.func @transform_5(%arg0: i32) -> (i32, i32) {
    %c0_i32 = arith.constant 0 : i32
    %c0_i32_0 = arith.constant 0 : i32
    %c0_i32_1 = arith.constant 0 : i32
    return %c0_i32, %c0_i32_0 : i32, i32
  }
  func.func @transform_6(%arg0: i32) -> (i32, i32) {
    %c0_i32 = arith.constant 0 : i32
    %c0_i32_0 = arith.constant 0 : i32
    return %arg0, %c0_i32 : i32, i32
  }
}

</mosaic_0001>

<sc_bundles>
// kernel: kernel.4.cloned.1.call-start
scs
__scs_entry_jumppad:
0x0: {  	(pc) =	sbr.rel $0x88, $3  }
0x1: {  	(tag) =	ssettag $0x0;
	lr =	simm.s32 $0x1  }
0x2: {  	[smem:$0x3F9B] =	sst lr;
	_ =	strace $0xD0000000  }
0x3: {  	_ = 	snop  }
0x4: {  	_ = 	snop  }
0x5: {  	_ = 	snop  }
0x6: {  	_ = 	snop  }
0x7: {  	_ = 	snop  }
__scs_overlays_trampoline_lowered:
0x8: {  	[smem:$0x3FAA] =	sst s0  }
0x9: {  	[smem:$0x3FAB] =	sst s1  }
0xa: {  	[smem:$0x3FAC] =	sst s2  }
0xb: {  	[smem:$0x3FAD] =	sst s3  }
0xc: {  	[smem:$0x3FAE] =	sst s4  }
0xd: {  	[smem:$0x3FAF] =	sst s5  }
0xe: {  	[smem:$0x3FB0] =	sst s6  }
0xf: {  	[smem:$0x3FB1] =	sst s7  }
0x10: {  	[smem:$0x3FB2] =	sst s8  }
0x11: {  	[smem:$0x3FB3] =	sst s9;
	s0 =	simm.s32 @!p0 $0x0  }
0x12: {  	s1 =	sld [smem:$0x3F99];
	s0 =	simm.s32 @p0 $0x1  }
0x13: {  	[smem:$0x3FB4] =	sst s0;
	s0 =	simm.s32 @!p1 $0x0  }
0x14: {  	s2 =	sld [smem:$0x3F98];
	s0 =	simm.s32 @p1 $0x1  }
0x15: {  	[smem:$0x3FB5] =	sst s0;
	s0 =	simm.s32 @!p2 $0x0  }
0x16: {  	s3 =	sld [smem:$0x3FDB];
	s0 =	simm.s32 @p2 $0x1  }
0x17: {  	s4 =	simm.s32 $0x1BF5;
	[smem:$0x3FB7] =	sst s0  }
0x18: {  	s0 =	sld [smem:$0x3F9A];
	_ =	swait.ge [sflag:s4], $0x0  }
0x19: {  	s7 =	sld [smem:$0x3F9B]  }
0x1a: {  	s8 =	sadd.s32 $0xFFFFE003, lr  }
0x1b: {  	s9 =	sadd.s32 $0xFFFFFEF7, lr;
	s5 =	simm.s32 $0xFFFFFFFF;
	p2 =	slt.u32 s8, $0xFFFFF086  }
0x1c: {  	p1 =	slt.u32 s9, $0xF7A;
	s5 =	simm.s32 @!p2 $0x0  }
0x1d: {  	s5 =	simm.s32 @p1 $0x1;
	p0 =	seq.s32 s7, s2  }
0x1e: {  	s7 =	smul.u32 @!p0 $0xF7A, s2;
	p2 =	seq.s32 @!p0 s5, $0x0  }
0x1f: {  	s9 =	smul.u32 $0xF7A, s1;
	s8 =	simm.s32 @!p0 $0x1BF5;
	p2 =	por !p2, p0  }
0x20: {  	[sflag:s8] =	ssyncset.s32 @!p0 $0xFFFFF086;
	s6 =	sadd.s32 @!p0 s3, s7;
	s7 =	simm.s32 @!p0 $0x108  }
0x21: {  	s3 =	sadd.s32 s3, s9;
	s6 =	sadd.s32 @!p0 $0x88, s6;
	s7 =	simm.s32 @p2 $0x1082  }
0x22: {  	[simem:s7], [sflag:s8] =	dma.local @!p0 [hbm:s6], $0xF7A  }
0x23: {  	s9 =	sor.u32 $0xD0000000, s2;
	s6 =	simm.s32 $0x108;
	_ =	swait.ge @!p0 [sflag:s8], $0x0  }
0x24: {  	s3 =	sadd.s32 $0x88, s3;
	s6 =	simm.s32 @!p1 $0x1082;
	[sflag:s4] =	ssyncset.s32 $0xFFFFF086  }
0x25: {  	[simem:s6], [sflag:s4] =	dma.local [hbm:s3], $0xF7A  }
0x26: {  	[smem:$0x3F9B] =	sst s1;
	(tag) =	ssettag s2;
	_ =	strace s9  }
0x27: {  	s1 =	sld [smem:$0x3FAB]  }
0x28: {  	s2 =	sld [smem:$0x3FAC]  }
0x29: {  	s4 =	sld [smem:$0x3FAE]  }
0x2a: {  	p0 =	seq.s32 s5, $0x0;
	s5 =	sld [smem:$0x3FAF]  }
0x2b: {  	s6 =	sld [smem:$0x3FB0]  }
0x2c: {  	s7 =	sld [smem:$0x3FB1]  }
0x2d: {  	s3 =	simm.s32 $0x108;
	s8 =	sld [smem:$0x3FB2]  }
0x2e: {  	s3 =	simm.s32 @!p0 $0x1082;
	s9 =	sld [smem:$0x3FB3]  }
0x2f: {  	lr =	sadd.s32 s0, s3;
	s0 =	sld [smem:$0x3FAA]  }
0x30: {  	s3 =	sld [smem:$0x3FAD]  }
0x31: {  	[smem:$0x3FB6] =	sst s10  }
0x32: {  	s10 =	sld [smem:$0x3FB4];
	_ =	sdelay $0x3  }
0x33: {  	p0 =	seq.s32 s10, $0x1;
	s10 =	sld [smem:$0x3FB6];
	_ =	sdelay $0x3  }
0x34: {  	[smem:$0x3FB6] =	sst s10  }
0x35: {  	s10 =	sld [smem:$0x3FB5];
	_ =	sdelay $0x3  }
0x36: {  	p1 =	seq.s32 s10, $0x1;
	s10 =	sld [smem:$0x3FB6];
	_ =	sdelay $0x3  }
0x37: {  	[smem:$0x3FB6] =	sst s10  }
0x38: {  	s10 =	sld [smem:$0x3FB7]  }
0x39: {  	_ = 	snop;
	(pc) =	sbr.ind lr, $3  }
0x3a: {  	_ = 	snop  }
0x3b: {  	_ = 	snop  }
0x3c: {  	p2 =	seq.s32 s10, $0x1;
	s10 =	sld [smem:$0x3FB6]  }
0x3d: {  	_ =	shalt  }
0x3e: {  	_ =	shalt  }
0x3f: {  	_ =	shalt  }
0x40: {  	_ =	shalt  }
0x41: {  	_ =	shalt  }
0x42: {  	_ =	shalt  }
0x43: {  	_ =	shalt  }
0x44: {  	_ =	shalt  }
0x45: {  	_ =	shalt  }
0x46: {  	_ =	shalt  }
0x47: {  	_ =	shalt  }
0x48: {  	_ =	shalt  }
0x49: {  	_ =	shalt  }
0x4a: {  	_ =	shalt  }
0x4b: {  	_ =	shalt  }
0x4c: {  	_ =	shalt  }
0x4d: {  	_ =	shalt  }
0x4e: {  	_ =	shalt  }
0x4f: {  	_ =	shalt  }
0x50: {  	_ =	shalt  }
0x51: {  	_ =	shalt  }
0x52: {  	_ =	shalt  }
0x53: {  	_ =	shalt  }
0x54: {  	_ =	shalt  }
0x55: {  	_ =	shalt  }
0x56: {  	_ =	shalt  }
0x57: {  	_ =	shalt  }
0x58: {  	_ =	shalt  }
0x59: {  	_ =	shalt  }
0x5a: {  	_ =	shalt  }
0x5b: {  	_ =	shalt  }
0x5c: {  	_ =	shalt  }
0x5d: {  	_ =	shalt  }
0x5e: {  	_ =	shalt  }
0x5f: {  	_ =	shalt  }
0x60: {  	_ =	shalt  }
0x61: {  	_ =	shalt  }
0x62: {  	_ =	shalt  }
0x63: {  	_ =	shalt  }
0x64: {  	_ =	shalt  }
0x65: {  	_ =	shalt  }
0x66: {  	_ =	shalt  }
0x67: {  	_ =	shalt  }
0x68: {  	_ =	shalt  }
0x69: {  	_ =	shalt  }
0x6a: {  	_ =	shalt  }
0x6b: {  	_ =	shalt  }
0x6c: {  	_ =	shalt  }
0x6d: {  	_ =	shalt  }
0x6e: {  	_ =	shalt  }
0x6f: {  	_ =	shalt  }
0x70: {  	_ =	shalt  }
0x71: {  	_ =	shalt  }
0x72: {  	_ =	shalt  }
0x73: {  	_ =	shalt  }
0x74: {  	_ =	shalt  }
0x75: {  	_ =	shalt  }
0x76: {  	_ =	shalt  }
0x77: {  	_ =	shalt  }
0x78: {  	_ =	shalt  }
0x79: {  	_ =	shalt  }
0x7a: {  	_ =	shalt  }
0x7b: {  	_ =	shalt  }
0x7c: {  	_ =	shalt  }
0x7d: {  	_ =	shalt  }
0x7e: {  	_ =	shalt  }
0x7f: {  	_ =	shalt  }
0x80: {  	_ =	shalt  }
0x81: {  	_ =	shalt  }
0x82: {  	_ =	shalt  }
0x83: {  	_ =	shalt  }
0x84: {  	_ =	shalt  }
0x85: {  	_ =	shalt  }
0x86: {  	_ =	shalt  }
0x87: {  	_ =	shalt  }
.Lfunc_end0:
.L_simem_size_0:
called_computation_lowered:
.L_overlay_start_0:
0x88: {  	s2 =	sld [smem:$0x3FD9]  }
0x89: {  	s3 =	sld [smem:$0x3FFE];
	_ =	sdelay $0x1  }
0x8a: {  	s1 =	srdreg.scid  }
0x8b: {  	s0 =	sand.u32 $0x1, s1  }
0x8c: {  	s14 =	sshll.u32 s0, $0xA;
	s2 =	sadd.s32 s3, s2  }
0x8d: {  	s2 =	sadd.s32 s2, s14  }
0x8e: {  	[smem:$0x3FC2] =	sst s2  }
0x8f: {  	_ = 	snop  }
0x90: {  	s2 =	sld [smem:$0x3FD0];
	_ =	sdelay $0x2  }
0x91: {  	s4 =	simm.s32 $0xA;
	s5 =	simm.s32 $0x10;
	s15 =	sld [smem:$0x3FC9]  }
0x92: {  	[smem:s5], [sflag:s4] =	dma.local [hbm:s2], $0x1  }
0x93: {  	_ =	swait.eq [sflag:s4], $0x1  }
0x94: {  	[sflag:s4] =	ssyncset.done $0x0  }
0x95: {  	[sflag:s4] =	ssyncadd.s32 $0xFFFFFFFF  }
0x96: {  	s16 =	sld [smem:$0x10];
	(tm) =	ssettm $0x1  }
0x97: {  	s17 =	sld [smem:$0x3FFB];
	_ =	sdelay $0x3  }
0x98: {  	_ =	strace s17  }
0x99: {  	s4 =	sld [smem:$0x3FFC];
	_ =	sdelay $0x3  }
0x9a: {  	_ =	strace s4  }
0x9b: {  	s4 =	sld [smem:$0x3FFD];
	_ =	sdelay $0x3  }
0x9c: {  	_ =	strace s4  }
0x9d: {  	_ =	strace $0x8FFFFFFF  }
0x9e: {  	s18 =	sld [smem:$0x3FDB];
	_ =	sdelay $0x1  }
0x9f: {  	s19 =	simm.s32 $_scs_section_size  }
0xa0: {  	s6 =	simm.s32 $_size__tile_overlayer_lowered;
	s7 =	simm.s32 $_tile_overlayer_lowered  }
0xa1: {  	s22 =	simm.s32 $0x1BFF;
	s21 =	sshll.u32 s7, $0x1;
	s4 =	sadd.s32 s19, s18  }
0xa2: {  	s8 =	simm.s32 $0x0;
	s20 =	sshll.u32 s6, $0x1;
	s6 =	sadd.s32 s21, s4  }
0xa3: {  	[timem:s8], [sflag:s22] =	dma.local [hbm:s6], s20  }
0xa4: {  	_ =	swait.ge [sflag:s22], s20  }
0xa5: {  	s5 =	ssub.s32 $0x0, s20;
	[sflag:s22] =	ssyncset.done $0x0  }
0xa6: {  	[sflag:s22] =	ssyncadd.s32 s5;
	_ =	sdelay $0x1  }
0xa7: {  	s23 =	simm.s32 $0x1B8B  }
0xa8: {  	_ =	swait.ge [sflag:s23], $0x1  }
0xa9: {  	[sflag:s23] =	ssyncset.done $0x0  }
0xaa: {  	s25 =	simm.s32 $0x1B8E;
	s24 =	sld [smem:$0x3FFE];
	[sflag:s23] =	ssyncadd.s32 $0xFFFFFFFF  }
0xab: {  	s26 =	simm.s32 $execute0_lowered;
	[smem:$0x3FD2] =	sst s25  }
0xac: {  	s6 =	sshll.u32 s26, $0x1;
	_ =	strace $0x80000046;
	[dreg:$0x1] =	wrdreg $0xFFFFFFFF  }
0xad: {  	s28 =	simm.s32 $_size_execute0_lowered;
	s4 =	sadd.s32 s4, s6;
	[dreg:$0x0] =	wrdreg $0x0  }
0xae: {  	s6 =	sshll.u32 s28, $0x1;
	[dreg:$0x2] =	wrdreg s4  }
0xaf: {  	[dreg:$0x3] =	wrdreg s6  }
0xb0: {  	[dreg:$0x4] =	wrdreg $0xC0  }
0xb1: {  	_ =	task [dreg:s8], $0x5FFFF  }
0xb2: {  	[dreg:$0x1] =	wrdreg $0xFFFFFFFF  }
0xb3: {  	[dreg:$0x0] =	wrdreg $0x60  }
0xb4: {  	[dreg:$0x2] =	wrdreg s15  }
0xb5: {  	[dreg:$0x3] =	wrdreg s16  }
0xb6: {  	[dreg:$0x4] =	wrdreg s24  }
0xb7: {  	[dreg:$0x5] =	wrdreg $0xAB800  }
0xb8: {  	[dreg:$0x6] =	wrdreg $0x9  }
0xb9: {  	_ =	task.clear_ibuf [dreg:s8], $0x7FFFF;
	_ =	strace $0x90000046  }
0xba: {  	s29 =	simm.s32 $0x9;
	_ =	strace $0x80000048  }
0xbb: {  	_ =	swait.ge [sflag:s29], $0x1  }
0xbc: {  	[sflag:s29] =	ssyncadd.s32 $0xFFFFFFFF  }
0xbd: {  	_ =	strace $0x90000048  }
0xbe: {  	_ =	sfence  }
0xbf: {  	s30 =	sld [smem:$0x0];
	_ =	sdelay $0x2  }
0xc0: {  	s31 =	sshll.u32 s1, $0xD;
	s1 =	sshrl.u32 s1, $0x2  }
0xc1: {  	s3 =	sand.u32 $0x4000, s31;
	s1 =	sadd.s32 s1, s30  }
0xc2: {  	s0 =	sor.u32 s3, s0;
	s1 =	sshll.u32 s1, $0x11  }
0xc3: {  	s0 =	sor.u32 s1, s0  }
0xc4: {  	s0 =	sadd.s32 $0x8F2B, s0  }
0xc5: {  	[sflag:s0] =	ssyncadd.remote.s32 $0x1  }
0xc6: {  	_ =	sfence.sel $0xFFFF  }
0xc7: {  	[dreg:$0x0] =	wrdreg $0xFFFFFFFF;
	(pc) =	sbr.abs _section_cstart, $3  }
0xc8: {  	[dreg:$0x1] =	wrdreg $0xFFFFFFFF  }
0xc9: {  	_ =	task.clear_ibuf [dreg:s8], $0x2FFFF;
	_ =	strace $0x9FFFFFFF  }
0xca: {  	(tm) =	ssettm $0x7FFFFFFF  }
0xcb: {  	_ =	shalt  }
tec
execute0_lowered:
.L_overlay_start_1:
0x0: {  	(tag) =	ssettag $0x1  }
0x1: {  	s1 =	rddreg [dreg:$0x0]  }
0x2: {  	s2 =	rddreg [dreg:$0x1];
	s5 =	srdreg.scid  }
0x3: {  	s7 =	rddreg [dreg:$0x2];
	s8 =	sand.u32 $0x1, s5  }
0x4: {  	s3 =	rddreg [dreg:$0x3];
	s9 =	smul.u32 $0x27800, s8  }
0x5: {  	s4 =	simm.s32 $0x0;
	s5 =	stileid.u32;
	s10 =	smul.u32 $0x4F00, s8  }
0x6: {  	[smem:$0x7FF] =	sst s4;
	s6 =	sadd.s32 $0x1600, s7;
	s12 =	smul.u32 $0x2A, s5  }
0x7: {  	_ =	strace $0x80000047;
	s19 =	ssub.s32 $0x2, s8;
	s21 =	smul.u32 $0x23, s5  }
0x8: {  	s22 =	smin.u32 s5, $0x8;
	s23 =	smin.u32 s5, $0xA;
	p0 =	seq.s32 s8, $0x0  }
0x9: {  	p1 =	slt.u32 s5, $0x8;
	s25 =	smul.u32 $0x4F000, s5;
	s26 =	sshll.u32 s5, $0x6  }
0xa: {  	s16 =	sshrl.u32 s5, $0x3;
	s30 =	sshll.u32 s5, $0x7;
	s20 =	sshrl.u32 s19, $0x1  }
0xb: {  	s16 =	smul.u32 $0x13C00, s16;
	s18 =	sand.u32 $0x380, s30;
	s11 =	sadd.s32 s9, s7  }
0xc: {  	s13 =	sadd.s32 s10, s7;
	s14 =	ssub.s32 s19, s20;
	s8 =	sadd.s32 s22, s12  }
0xd: {  	s24 =	sadd.s32 s23, s21;
	s9 =	simm.s32 $0x2B;
	s12 =	simm.s32 $0x24  }
0xe: {  	s10 =	sshrl.u32 s25, $0x2;
	s23 =	smul.u32 $0x2780, s5;
	s19 =	simm.s32 $0x2  }
0xf: {  	s20 =	simm.s32 $0x3;
	s21 =	simm.s32 $0x100;
	s9 =	simm.s32 @!p1 $0x2A  }
0x10: {  	p1 =	slt.u32 s5, $0xA;
	s7 =	sadd.s32 $0x2A8, s24;
	s15 =	sadd.s32 s10, s3  }
0x11: {  	s22 =	sadd.s32 $0xDC00, s11;
	s31 =	sor.u32 s18, s16;
	s24 =	sadd.s32 $0x3E00, s13  }
0x12: {  	s11 =	smax.u32 s14, $0x1;
	s14 =	simm.s32 $0x4;
	s16 =	simm.s32 $0x400  }
0x13: {  	s18 =	simm.s32 $0x200;
	s12 =	simm.s32 @!p1 $0x23;
	s7 =	smov.u32 @p0 s8  }
0x14: {  	s8 =	sor.u32 $0x1C04, s26;
	s25 =	sshrl.u32 s31, $0x3;
	s13 =	sshrl.u32 s15, $0x3  }
0x15: {  	s15 =	simm.s32 $0x80;
	s22 =	sadd.s32 s23, s22;
	s23 =	simm.s32 $0x8400  }
0x16: {  	s12 =	smov.u32 @p0 s9;
	s28 =	sshll.u32 s7, $0x5;
	s29 =	sshll.u32 s7, $0x4  }
0x17: {  	s24 =	sadd.s32 s25, s24;
	s9 =	sand.u32 $0x1FF00, s28;
	s10 =	sand.u32 $0x70, s29  }
0x18: {  	s25 =	simm.s32 $0x1;
	s17 =	sor.u32 s10, s9;
	s10 =	sadd.s32 $0x9D00, s2  }
0x19: {  	v0 =	vimm.f32 $0.0e+00;
	v1 =	vimm.f32 $1.000000000e+00;
	s12 =	sshll.u32 s12, $0x8;
	s9 =	sadd.s32 s2, s17;
	s17 =	sadd.s32 s17, s10  }
.LBB2_1:
0x1a: {  	[spmem:s13], [sflag:s8] =	dma.local [hbm:s6], $0x2780  }
0x1b: {  	_ =	swait.ge [sflag:s14], $0x2780  }
0x1c: {  	[sflag:s14] =	ssyncset.done $0x0  }
0x1d: {  	s26 =	simm.s32 $0x40;
	s28 =	simm.s32 $0x0;
	[sflag:s14] =	ssyncadd.s32 $0xFFFFD880  }
.LBB2_2:
0x1e: {  	p0 =	sne.s32 s26, $0x9DC0;
	[tilespmem:s28+$0x8400] =	vst v0;
	s28 =	smov.u32 s26;
	s26 =	sadd.s32 $0x40, s26  }
.Ltmp0:
0x1f: {  	(pc) =	sbr.rel @p0 .LBB2_2-.Ltmp0, $2  }
0x20: {  	_ =	sdelay $0x2  }
0x21: {  	s28 =	sshra.s32 s28, $0x2  }
0x22: {  	[tilespmem:s28+$0x8400] =	vst v0  }
0x23: {  	s26 =	simm.s32 $0x0;
	[bflag:$0x0] =	sbarrier.arrive $0xFFFF  }
0x24: {  	[tilespmem:s26], [sflag:$0x2] =	stream.strided.gather [hbm4b:s9+s15], $0x100, s16, s15, $0x38;
	[tilespmem:$0x1E780] =	vst v63  }
0x25: {  	s28 =	smov.u32 s7  }
0x26: {  	[tilespmem:s18], [sflag:$0x3] =	stream.strided.gather [hbm4b:s17+s15], $0x100, s16, s15, $0x38;
	[tilespmem:$0x1E780] =	vst v63  }
.LBB2_4:
0x27: {  	p0 =	slt.s32 s28, $0x4E0;
	s29 =	smov.u32 s28  }
0x28: {  	s29 =	simm.s32 @!p0 $0x4E0  }
0x29: {  	_ =	swait.ge [sflag:s19], $0x100;
	s29 =	sadd.s32 $0x1, s29  }
0x2a: {  	[sflag:s19] =	ssyncset.done $0x0;
	s30 =	sshll.u32 s29, $0x8;
	s29 =	sshll.u32 s29, $0x7  }
0x2b: {  	[sflag:s19] =	ssyncadd.s32 $0xFFFFFF00;
	s30 =	sand.u32 $0xFFFFF800, s30;
	s29 =	sand.u32 $0x380, s29  }
0x2c: {  	s31 =	sand.u32 $0x100, s26;
	_ =	swait.ge [sflag:s20], $0x100;
	s29 =	sor.u32 s29, s30  }
0x2d: {  	s26 =	sadd.s32 $0x100, s26;
	[sflag:s20] =	ssyncset.done $0x0;
	s29 =	sshrl.u32 s29, $0x3  }
0x2e: {  	[sflag:s20] =	ssyncadd.s32 $0xFFFFFF00;
	s30 =	sand.u32 $0x100, s26;
	s0 =	sadd.s32 s2, s29  }
0x2f: {  	[tilespmem:s30], [sflag:$0x2] =	stream.strided.gather [hbm4b:s0+s15], $0x100, s16, s15, $0x38;
	[tilespmem:$0x1E780] =	vst v63  }
0x30: {  	s29 =	sadd.s32 s10, s29;
	s30 =	sor.u32 $0x200, s30  }
0x31: {  	[tilespmem:s30], [sflag:$0x3] =	stream.strided.gather [hbm4b:s29+s15], $0x100, s16, s15, $0x38;
	[tilespmem:$0x1E780] =	vst v63  }
0x32: {  	_ = 	snop  }
0x33: {  	[tilespmem:s16], [sflag:$0x1] =	stream.indirect.gather [hbm4b:s1+s21], $0x80, s31, s21, $0xb8;
	[tilespmem:$0x1E780] =	vst v63  }
0x34: {  	v2 =	vld [tilespmem:s31+$0x200];
	_ =	sdelay $0x7  }
0x35: {  	[tilespmem:v2+s23+$0x0] =	vst.idx.add.f32.msk $0xffff, v1  }
0x36: {  	v2 =	vld [tilespmem:s31+$0x210];
	_ =	sdelay $0x7  }
0x37: {  	[tilespmem:v2+s23+$0x0] =	vst.idx.add.f32.msk $0xffff, v1  }
0x38: {  	v2 =	vld [tilespmem:s31+$0x220];
	_ =	sdelay $0x7  }
0x39: {  	[tilespmem:v2+s23+$0x0] =	vst.idx.add.f32.msk $0xffff, v1  }
0x3a: {  	v2 =	vld [tilespmem:s31+$0x230];
	_ =	sdelay $0x7  }
0x3b: {  	[tilespmem:v2+s23+$0x0] =	vst.idx.add.f32.msk $0xffff, v1  }
0x3c: {  	v2 =	vld [tilespmem:s31+$0x240];
	_ =	sdelay $0x7  }
0x3d: {  	[tilespmem:v2+s23+$0x0] =	vst.idx.add.f32.msk $0xffff, v1  }
0x3e: {  	v2 =	vld [tilespmem:s31+$0x250];
	_ =	sdelay $0x7  }
0x3f: {  	[tilespmem:v2+s23+$0x0] =	vst.idx.add.f32.msk $0xffff, v1  }
0x40: {  	v2 =	vld [tilespmem:s31+$0x260];
	_ =	sdelay $0x7  }
0x41: {  	[tilespmem:v2+s23+$0x0] =	vst.idx.add.f32.msk $0xffff, v1  }
0x42: {  	v2 =	vld [tilespmem:s31+$0x270];
	_ =	sdelay $0x7  }
0x43: {  	[tilespmem:v2+s23+$0x0] =	vst.idx.add.f32.msk $0xffff, v1  }
0x44: {  	v2 =	vld [tilespmem:s31+$0x280];
	_ =	sdelay $0x7  }
0x45: {  	[tilespmem:v2+s23+$0x0] =	vst.idx.add.f32.msk $0xffff, v1  }
0x46: {  	v2 =	vld [tilespmem:s31+$0x290];
	_ =	sdelay $0x7  }
0x47: {  	[tilespmem:v2+s23+$0x0] =	vst.idx.add.f32.msk $0xffff, v1  }
0x48: {  	v2 =	vld [tilespmem:s31+$0x2A0];
	_ =	sdelay $0x7  }
0x49: {  	[tilespmem:v2+s23+$0x0] =	vst.idx.add.f32.msk $0xffff, v1  }
0x4a: {  	v2 =	vld [tilespmem:s31+$0x2B0];
	_ =	sdelay $0x7  }
0x4b: {  	[tilespmem:v2+s23+$0x0] =	vst.idx.add.f32.msk $0xffff, v1  }
0x4c: {  	v2 =	vld [tilespmem:s31+$0x2C0];
	_ =	sdelay $0x7  }
0x4d: {  	[tilespmem:v2+s23+$0x0] =	vst.idx.add.f32.msk $0xffff, v1  }
0x4e: {  	v2 =	vld [tilespmem:s31+$0x2D0];
	_ =	sdelay $0x7  }
0x4f: {  	[tilespmem:v2+s23+$0x0] =	vst.idx.add.f32.msk $0xffff, v1  }
0x50: {  	v2 =	vld [tilespmem:s31+$0x2E0];
	_ =	sdelay $0x7  }
0x51: {  	[tilespmem:v2+s23+$0x0] =	vst.idx.add.f32.msk $0xffff, v1  }
0x52: {  	v2 =	vld [tilespmem:s31+$0x2F0];
	_ =	sdelay $0x7  }
0x53: {  	[tilespmem:v2+s23+$0x0] =	vst.idx.add.f32.msk $0xffff, v1  }
0x54: {  	_ =	swait.ge [sflag:s25], $0x8000  }
0x55: {  	p0 =	sne.s32 s12, s26;
	[sflag:s25] =	ssyncset.done $0x0  }
.Ltmp1:
0x56: {  	s31 =	sor.u32 $0x200, s31;
	[sflag:s25] =	ssyncadd.s32 $0xFFFF8000;
	(pc) =	sbr.rel @p0 .LBB2_4-.Ltmp1, $4  }
0x57: {  	[spmem:s3] =	stream.indirect.scatter.add.f32 [tilespmem:s16], [sflag:$0x4], $0x80, s31, s21, $0xb8;
	[tilespmem:$0x1E780] =	vst v63  }
0x58: {  	_ =	swait.ge [sflag:s14], $0x8000  }
0x59: {  	[sflag:s14] =	ssyncset.done $0x0  }
0x5a: {  	s28 =	sadd.s32 $0x1, s28;
	[sflag:s14] =	ssyncadd.s32 $0xFFFF8000  }
0x5b: {  	_ =	swait.ge [sflag:s19], $0x100  }
0x5c: {  	[sflag:s19] =	ssyncset.done $0x0  }
0x5d: {  	[sflag:s19] =	ssyncadd.s32 $0xFFFFFF00  }
0x5e: {  	_ =	swait.ge [sflag:s20], $0x100  }
0x5f: {  	[sflag:s20] =	ssyncset.done $0x0  }
0x60: {  	[sflag:s20] =	ssyncadd.s32 $0xFFFFFF00  }
0x61: {  	[bflag:$0x0] =	sbarrier.arrive $0xFFFF  }
0x62: {  	[hbm:s22], [sflag:s8] =	dma.local [spmem:s13], $0x2780  }
0x63: {  	s4 =	sadd.s32 $0x1, s4;
	_ =	swait.ge [sflag:s14], $0x2780  }
0x64: {  	p0 =	sne.s32 s4, s11;
	[sflag:s14] =	ssyncset.done $0x0  }
.Ltmp2:
0x65: {  	[sflag:s14] =	ssyncadd.s32 $0xFFFFD880;
	(pc) =	sbr.rel @p0 .LBB2_1-.Ltmp2, $4  }
0x66: {  	[hbm4b:s24+s15] =	stream.strided.scatter [tilespmem:s23], [sflag:$0x4], $0x2780, s16, s15, $0x38;
	[tilespmem:$0x1E780] =	vst v63  }
0x67: {  	_ =	swait.ge [sflag:s14], $0x2780  }
0x68: {  	[sflag:s14] =	ssyncset.done $0x0  }
0x69: {  	[sflag:s14] =	ssyncadd.s32 $0xFFFFD880  }
0x6a: {  	_ =	sfence.sel $0x180000  }
0x6b: {  	[bflag:$0x0] =	sbarrier.arrive $0xFFFF  }
0x6c: {  	_ =	strace $0x90000047  }
0x6d: {  	[bflag:$0x2] =	sbarrier.arrive $0xFFFF  }
0x6e: {  	p0 =	sne.s32 s5, $0x0;
	s0 =	rddreg [dreg:$0x4]  }
0x6f: {  	s0 =	sadd.s32 @!p0 $0x100000, s0  }
0x70: {  	[sflag:s0] =	ssyncadd.tile.s32 @!p0 $0x1;
	_ =	shalt  }
.Lfunc_end2:
_tile_overlayer_lowered:
.L_overlay_start_2:
0x71: {  	(tag) =	ssettag $0x2  }
0x72: {  	s0 =	rddreg [dreg:$0x0];
	s2 =	stileid.u32  }
0x73: {  	s1 =	rddreg [dreg:$0x1];
	p0 =	sne.s32 s2, $0x0  }
0x74: {  	s3 =	rddreg [dreg:$0x2];
	[bflag:$0x3] =	sbarrier.arrive $0xFFFF;
	s2 =	simm.s32 @!p0 $0x1C04  }
0x75: {  	[timem:s3], [sflag:s2] =	dma.local @!p0 [hbm:s0], s1  }
0x76: {  	s0 =	simm.s32 @!p0 $0x4  }
0x77: {  	_ =	swait.ge @!p0 [sflag:s0], s1  }
0x78: {  	s1 =	ssub.s32 @!p0 $0x0, s1;
	[sflag:s0] =	ssyncset.done @!p0 $0x0  }
0x79: {  	[sflag:s0] =	ssyncadd.s32 @!p0 s1  }
0x7a: {  	[bflag:$0x3] =	sbarrier.arrive $0xFFFF  }
0x7b: {  	_ =	shalt  }

</sc_bundles>
